<compile_context>
chip_gen: v7x
topology: tpu7x:2x2x1
jax: 0.10.2.dev20260603
libtpu: 0.0.44.dev20260713+nightly
codegen_flags: <defaults>
</compile_context>

<pallas_src>
import jax
import jax.numpy as jnp
from jax import lax
from jax.experimental import pallas as pl
from jax.experimental.pallas import tpu as pltpu
from jax.experimental.pallas import tpu_sc as plsc

N_NODES = 10000
N_EDGES = 320000
D_FEAT = 128

_NC = 2
_NS = 16
_NW = _NC * _NS
_EPW = N_EDGES // _NW
_C = 40
_NCHUNKS = _EPW // _C
_NBUF = 2
_NMAIN = _NCHUNKS - (_NCHUNKS % _NBUF)

_ROWS_PER_TILE = 624
_ROWS_TAIL = N_NODES - _NS * _ROWS_PER_TILE


def _sc_body(feat_hbm, src_hbm, dst_hbm, out_hbm, feat_sp, idx_u, idx_v,
             *scratch):
    rows_u = scratch[0:_NBUF]
    rows_v = scratch[_NBUF:2 * _NBUF]
    out_b = scratch[2 * _NBUF:3 * _NBUF]
    sem_gu = scratch[3 * _NBUF:4 * _NBUF]
    sem_gv = scratch[4 * _NBUF:5 * _NBUF]
    sem_wb = scratch[5 * _NBUF:6 * _NBUF]

    sid = lax.axis_index("s")
    wid = sid * _NC + lax.axis_index("c")
    tile_base = wid * _EPW
    pltpu.async_copy(feat_hbm.at[pl.ds(sid * _ROWS_PER_TILE, _ROWS_PER_TILE)],
                     feat_sp.at[pl.ds(sid * _ROWS_PER_TILE, _ROWS_PER_TILE)],
                     sem_gu[0]).wait()

    @pl.when(sid == 0)
    def _():
        tail = _NS * _ROWS_PER_TILE
        pltpu.async_copy(feat_hbm.at[pl.ds(tail, _ROWS_TAIL)],
                         feat_sp.at[pl.ds(tail, _ROWS_TAIL)],
                         sem_gu[0]).wait()

    pltpu.sync_copy(src_hbm.at[pl.ds(tile_base, _EPW)], idx_u)
    pltpu.sync_copy(dst_hbm.at[pl.ds(tile_base, _EPW)], idx_v)
    plsc.subcore_barrier()

    def issue_gather(c, b):
        off = c * _C
        pltpu.async_copy(feat_sp.at[idx_u.at[pl.ds(off, _C)]], rows_u[b],
                         sem_gu[b])
        pltpu.async_copy(feat_sp.at[idx_v.at[pl.ds(off, _C)]], rows_v[b],
                         sem_gv[b])

    def wait_gather(b):
        pltpu.make_async_copy(feat_sp.at[pl.ds(0, _C)], rows_u[b],
                              sem_gu[b]).wait()
        pltpu.make_async_copy(feat_sp.at[pl.ds(0, _C)], rows_v[b],
                              sem_gv[b]).wait()

    def issue_wb(c, b):
        base = tile_base + c * _C
        pltpu.async_copy(out_b[b], out_hbm.at[pl.ds(base, _C)], sem_wb[b])

    def wait_wb(b):
        pltpu.make_async_copy(out_b[b], out_hbm.at[pl.ds(0, _C)], sem_wb[b]).wait()

    def compute(b):
        ru, rv, ob = rows_u[b], rows_v[b], out_b[b]

        @plsc.parallel_loop(0, _C, 1, unroll=8)
        def _(e):
            for j in range(D_FEAT // 16):
                s = pl.ds(j * 16, 16)
                ob[e, s] = ru[e, s] * rv[e, s]

    for k in range(_NBUF):
        issue_gather(k, k)

    def outer(i, carry):
        for b in range(_NBUF):
            c = i * _NBUF + b
            wait_gather(b)

            @pl.when(i >= 1)
            def _():
                wait_wb(b)

            compute(b)
            issue_wb(c, b)

            @pl.when(c + _NBUF < _NCHUNKS)
            def _():
                issue_gather(c + _NBUF, b)
        return carry

    lax.fori_loop(0, _NMAIN // _NBUF, outer, 0)

    for c in range(_NMAIN, _NCHUNKS):
        b = c % _NBUF
        wait_gather(b)
        wait_wb(b)
        compute(b)
        issue_wb(c, b)
    for b in range(_NBUF):
        wait_wb(b)


@jax.jit
def _gather_mul(feat, src, dst):
    mesh = plsc.VectorSubcoreMesh(core_axis_name="c", subcore_axis_name="s")
    f = pl.kernel(
        _sc_body,
        mesh=mesh,
        out_type=jax.ShapeDtypeStruct((N_EDGES, D_FEAT), jnp.float32),
        scratch_types=[
            pltpu.VMEM_SHARED((N_NODES, D_FEAT), jnp.float32),
            pltpu.VMEM((_EPW,), jnp.int32),
            pltpu.VMEM((_EPW,), jnp.int32),
        ]
        + [pltpu.VMEM((_C, D_FEAT), jnp.float32)] * (3 * _NBUF)
        + [pltpu.SemaphoreType.DMA] * (3 * _NBUF),
    )
    return f(feat, src, dst)


def kernel(feat, edge_index):
    src = edge_index[0].astype(jnp.int32)
    dst = edge_index[1].astype(jnp.int32)
    return _gather_mul(feat, src, dst)

# --- scband reference (transcript-rebuilt; emitter-appended) ---
"""Pipeline reference for scband-elementwise-predictor-7086696038589 (READ-ONLY COPY).

The authoritative reference and input builder live on the scoring server;
editing this copy changes nothing except your own understanding.
"""

import jax, jax.numpy as jnp
import numpy as np

N_NODES = 10000
N_EDGES = 320000
D_FEAT = 128


def setup_inputs(seed: int = 0) -> dict:
    key = jax.random.key(seed)
    k1, k2 = jax.random.split(key)
    feat = jax.random.normal(k1, (N_NODES, D_FEAT), dtype=jnp.float32)
    edge_index = jax.random.randint(k2, (2, N_EDGES), 0, N_NODES, dtype=jnp.int64)
    return {"feat": feat, "edge_index": edge_index}


def reference(feat, edge_index):
    # DGL graph path: apply_edges(fn.u_mul_v('h','h','h'))
    # i.e. for each edge (u, v): h_e = feat[u] * feat[v]
    src = edge_index[0]
    dst = edge_index[1]
    h_u = jnp.take(feat, src, axis=0)
    h_v = jnp.take(feat, dst, axis=0)
    h = h_u * h_v
    # predictor is None -> return elementwise product directly
    return h

if __name__ == "__main__":
    import jax
    _d = setup_inputs()
    print(jax.jit(kernel)(*tuple(_d.values())))

</pallas_src>

<mosaic_0001>
#map = affine_map<(d0, d1) -> (0, 0)>
#map1 = affine_map<(d0, d1) -> (0)>
module attributes {stable_mosaic.version = 14 : i64} {
  func.func @_sc_body(%arg0: i32, %arg1: i32, %arg2: memref<10000x128xf32, #tpu.memory_space<hbm>>, %arg3: memref<320000xi32, #tpu.memory_space<hbm>>, %arg4: memref<320000xi32, #tpu.memory_space<hbm>>, %arg5: memref<320000x128xf32, #tpu.memory_space<hbm>>, %arg6: memref<10000x128xf32, #tpu.memory_space<vmem_shared>>, %arg7: memref<10000xi32, #tpu.memory_space<vmem>>, %arg8: memref<10000xi32, #tpu.memory_space<vmem>>, %arg9: memref<40x128xf32, #tpu.memory_space<vmem>>, %arg10: memref<40x128xf32, #tpu.memory_space<vmem>>, %arg11: memref<40x128xf32, #tpu.memory_space<vmem>>, %arg12: memref<40x128xf32, #tpu.memory_space<vmem>>, %arg13: memref<40x128xf32, #tpu.memory_space<vmem>>, %arg14: memref<40x128xf32, #tpu.memory_space<vmem>>, %arg15: memref<!tpu.dma_semaphore, #tpu.memory_space<semaphore_mem>>, %arg16: memref<!tpu.dma_semaphore, #tpu.memory_space<semaphore_mem>>, %arg17: memref<!tpu.dma_semaphore, #tpu.memory_space<semaphore_mem>>, %arg18: memref<!tpu.dma_semaphore, #tpu.memory_space<semaphore_mem>>, %arg19: memref<!tpu.dma_semaphore, #tpu.memory_space<semaphore_mem>>, %arg20: memref<!tpu.dma_semaphore, #tpu.memory_space<semaphore_mem>>) attributes {dimension_semantics = [#tpu.dimension_semantics<core_parallel>, #tpu.dimension_semantics<subcore_parallel>], iteration_bounds = array<i64: 2, 16>, scalar_prefetch = 0 : i64, scratch_operands = 15 : i64, tpu.core_type = #tpu.core_type<sc_vector_subcore>, window_params = [{transform_indices = #map}, {transform_indices = #map1}, {transform_indices = #map1}, {transform_indices = #map}]} {
    %mul3A = arith.constant 2 : i32
    %mul3A_0 = arith.muli %arg1, %mul3A : i32
    %add3A = arith.addi %mul3A_0, %arg0 : i32
    %mul3A_1 = arith.constant 10000 : i32
    %mul3A_2 = arith.muli %add3A, %mul3A_1 : i32
    %mul3A_3 = arith.constant 624 : i32
    %mul3A_4 = arith.muli %arg1, %mul3A_3 : i32
    %mul3A_5 = arith.constant 624 : i32
    %mul3A_6 = arith.muli %arg1, %mul3A_5 : i32
    %dma_start3A = arith.constant 0 : i32
    %dma_start3A_7 = tpu.memref_slice %arg6[%mul3A_6, %dma_start3A] : memref<10000x128xf32, #tpu.memory_space<vmem_shared>> -> memref<624x128xf32, #tpu.memory_space<vmem_shared>>
    %dma_start3A_8 = arith.constant 0 : i32
    %dma_start3A_9 = tpu.memref_slice %arg2[%mul3A_4, %dma_start3A_8] : memref<10000x128xf32, #tpu.memory_space<hbm>> -> memref<624x128xf32, #tpu.memory_space<hbm>>
    tpu.enqueue_dma source(%dma_start3A_9 : memref<624x128xf32, #tpu.memory_space<hbm>>) target(%dma_start3A_7 : memref<624x128xf32, #tpu.memory_space<vmem_shared>>) target_semaphore(%arg15 : memref<!tpu.dma_semaphore, #tpu.memory_space<semaphore_mem>>)
    %dma_wait3A = arith.constant 0 : i32
    %dma_wait3A_10 = tpu.memref_slice %arg6[%mul3A_6, %dma_wait3A] : memref<10000x128xf32, #tpu.memory_space<vmem_shared>> -> memref<624x128xf32, #tpu.memory_space<vmem_shared>>
    %dma_wait3A_11 = arith.constant 0 : i32
    %dma_wait3A_12 = tpu.memref_slice %arg2[%mul3A_4, %dma_wait3A_11] : memref<10000x128xf32, #tpu.memory_space<hbm>> -> memref<624x128xf32, #tpu.memory_space<hbm>>
    tpu.wait_dma2 semaphore(%arg15 : memref<!tpu.dma_semaphore, #tpu.memory_space<semaphore_mem>>) src(%dma_wait3A_12 : memref<624x128xf32, #tpu.memory_space<hbm>>) dst(%dma_wait3A_10 : memref<624x128xf32, #tpu.memory_space<vmem_shared>>)
    %eq3A = arith.constant 0 : i32
    %eq3A_13 = arith.cmpi eq, %arg1, %eq3A : i32
    %convert_element_type3A = arith.extui %eq3A_13 : i1 to i32
    %cond3A = arith.constant 0 : i32
    %cond3A_14 = arith.cmpi ne, %convert_element_type3A, %cond3A : i32
    scf.if %cond3A_14 {
      %dma_start3A_52 = arith.constant 9984 : i32
      %dma_start3A_53 = arith.constant 0 : i32
      %dma_start3A_54 = tpu.memref_slice %arg6[%dma_start3A_52, %dma_start3A_53] : memref<10000x128xf32, #tpu.memory_space<vmem_shared>> -> memref<16x128xf32, #tpu.memory_space<vmem_shared>>
      %dma_start3A_55 = arith.constant 9984 : i32
      %dma_start3A_56 = arith.constant 0 : i32
      %dma_start3A_57 = tpu.memref_slice %arg2[%dma_start3A_55, %dma_start3A_56] : memref<10000x128xf32, #tpu.memory_space<hbm>> -> memref<16x128xf32, #tpu.memory_space<hbm>>
      tpu.enqueue_dma source(%dma_start3A_57 : memref<16x128xf32, #tpu.memory_space<hbm>>) target(%dma_start3A_54 : memref<16x128xf32, #tpu.memory_space<vmem_shared>>) target_semaphore(%arg15 : memref<!tpu.dma_semaphore, #tpu.memory_space<semaphore_mem>>)
      %dma_wait3A_58 = arith.constant 9984 : i32
      %dma_wait3A_59 = arith.constant 0 : i32
      %dma_wait3A_60 = tpu.memref_slice %arg6[%dma_wait3A_58, %dma_wait3A_59] : memref<10000x128xf32, #tpu.memory_space<vmem_shared>> -> memref<16x128xf32, #tpu.memory_space<vmem_shared>>
      %dma_wait3A_61 = arith.constant 9984 : i32
      %dma_wait3A_62 = arith.constant 0 : i32
      %dma_wait3A_63 = tpu.memref_slice %arg2[%dma_wait3A_61, %dma_wait3A_62] : memref<10000x128xf32, #tpu.memory_space<hbm>> -> memref<16x128xf32, #tpu.memory_space<hbm>>
      tpu.wait_dma2 semaphore(%arg15 : memref<!tpu.dma_semaphore, #tpu.memory_space<semaphore_mem>>) src(%dma_wait3A_63 : memref<16x128xf32, #tpu.memory_space<hbm>>) dst(%dma_wait3A_60 : memref<16x128xf32, #tpu.memory_space<vmem_shared>>)
    } else {
    }
    "tpu.region"() ({
      %run_scoped3A = tpu.sem_alloc : memref<!tpu.dma_semaphore, #tpu.memory_space<semaphore_mem>>
      %dma_start3A_52 = tpu.memref_slice %arg3[%mul3A_2] : memref<320000xi32, #tpu.memory_space<hbm>> -> memref<10000xi32, #tpu.memory_space<hbm>>
      %dma_start3A_53 = tpu.memref_slice %arg3[%mul3A_2] : memref<320000xi32, #tpu.memory_space<hbm>> -> memref<10000xi32, #tpu.memory_space<hbm>>
      tpu.enqueue_dma source(%dma_start3A_53 : memref<10000xi32, #tpu.memory_space<hbm>>) target(%arg7 : memref<10000xi32, #tpu.memory_space<vmem>>) target_semaphore(%run_scoped3A : memref<!tpu.dma_semaphore, #tpu.memory_space<semaphore_mem>>)
      %dma_wait3A_54 = tpu.memref_slice %arg3[%mul3A_2] : memref<320000xi32, #tpu.memory_space<hbm>> -> memref<10000xi32, #tpu.memory_space<hbm>>
      %dma_wait3A_55 = tpu.memref_slice %arg3[%mul3A_2] : memref<320000xi32, #tpu.memory_space<hbm>> -> memref<10000xi32, #tpu.memory_space<hbm>>
      tpu.wait_dma2 semaphore(%run_scoped3A : memref<!tpu.dma_semaphore, #tpu.memory_space<semaphore_mem>>) src(%dma_wait3A_55 : memref<10000xi32, #tpu.memory_space<hbm>>) dst(%arg7 : memref<10000xi32, #tpu.memory_space<vmem>>)
      tpu.yield
    }) : () -> ()
    "tpu.region"() ({
      %run_scoped3A = tpu.sem_alloc : memref<!tpu.dma_semaphore, #tpu.memory_space<semaphore_mem>>
      %dma_start3A_52 = tpu.memref_slice %arg4[%mul3A_2] : memref<320000xi32, #tpu.memory_space<hbm>> -> memref<10000xi32, #tpu.memory_space<hbm>>
      %dma_start3A_53 = tpu.memref_slice %arg4[%mul3A_2] : memref<320000xi32, #tpu.memory_space<hbm>> -> memref<10000xi32, #tpu.memory_space<hbm>>
      tpu.enqueue_dma source(%dma_start3A_53 : memref<10000xi32, #tpu.memory_space<hbm>>) target(%arg8 : memref<10000xi32, #tpu.memory_space<vmem>>) target_semaphore(%run_scoped3A : memref<!tpu.dma_semaphore, #tpu.memory_space<semaphore_mem>>)
      %dma_wait3A_54 = tpu.memref_slice %arg4[%mul3A_2] : memref<320000xi32, #tpu.memory_space<hbm>> -> memref<10000xi32, #tpu.memory_space<hbm>>
      %dma_wait3A_55 = tpu.memref_slice %arg4[%mul3A_2] : memref<320000xi32, #tpu.memory_space<hbm>> -> memref<10000xi32, #tpu.memory_space<hbm>>
      tpu.wait_dma2 semaphore(%run_scoped3A : memref<!tpu.dma_semaphore, #tpu.memory_space<semaphore_mem>>) src(%dma_wait3A_55 : memref<10000xi32, #tpu.memory_space<hbm>>) dst(%arg8 : memref<10000xi32, #tpu.memory_space<vmem>>)
      tpu.yield
    }) : () -> ()
    %barrier3A = arith.constant 0 : index
    tpu.barrier barrier_id(%barrier3A)
    %dma_start3A_15 = arith.constant 0 : i32
    %dma_start3A_16 = tpu.memref_slice %arg7[%dma_start3A_15] : memref<10000xi32, #tpu.memory_space<vmem>> -> memref<40xi32, #tpu.memory_space<vmem>>
    %dma_start3A_17 = arith.constant 0 : i32
    %dma_start3A_18 = arith.constant 0 : i32
    %dma_start3A_19 = tpu.memref_slice %arg6[%dma_start3A_17, %dma_start3A_18] : memref<10000x128xf32, #tpu.memory_space<vmem_shared>> -> memref<10000x128xf32, #tpu.memory_space<vmem_shared>>
    tpu.enqueue_indirect_dma source(%dma_start3A_19 : memref<10000x128xf32, #tpu.memory_space<vmem_shared>>) target(%arg9 : memref<40x128xf32, #tpu.memory_space<vmem>>) offsets(%dma_start3A_16 : memref<40xi32, #tpu.memory_space<vmem>>) semaphore(%arg15 : memref<!tpu.dma_semaphore, #tpu.memory_space<semaphore_mem>>)
    %dma_start3A_20 = arith.constant 0 : i32
    %dma_start3A_21 = tpu.memref_slice %arg8[%dma_start3A_20] : memref<10000xi32, #tpu.memory_space<vmem>> -> memref<40xi32, #tpu.memory_space<vmem>>
    %dma_start3A_22 = arith.constant 0 : i32
    %dma_start3A_23 = arith.constant 0 : i32
    %dma_start3A_24 = tpu.memref_slice %arg6[%dma_start3A_22, %dma_start3A_23] : memref<10000x128xf32, #tpu.memory_space<vmem_shared>> -> memref<10000x128xf32, #tpu.memory_space<vmem_shared>>
    tpu.enqueue_indirect_dma source(%dma_start3A_24 : memref<10000x128xf32, #tpu.memory_space<vmem_shared>>) target(%arg11 : memref<40x128xf32, #tpu.memory_space<vmem>>) offsets(%dma_start3A_21 : memref<40xi32, #tpu.memory_space<vmem>>) semaphore(%arg17 : memref<!tpu.dma_semaphore, #tpu.memory_space<semaphore_mem>>)
    %dma_start3A_25 = arith.constant 40 : i32
    %dma_start3A_26 = tpu.memref_slice %arg7[%dma_start3A_25] : memref<10000xi32, #tpu.memory_space<vmem>> -> memref<40xi32, #tpu.memory_space<vmem>>
    %dma_start3A_27 = arith.constant 0 : i32
    %dma_start3A_28 = arith.constant 0 : i32
    %dma_start3A_29 = tpu.memref_slice %arg6[%dma_start3A_27, %dma_start3A_28] : memref<10000x128xf32, #tpu.memory_space<vmem_shared>> -> memref<10000x128xf32, #tpu.memory_space<vmem_shared>>
    tpu.enqueue_indirect_dma source(%dma_start3A_29 : memref<10000x128xf32, #tpu.memory_space<vmem_shared>>) target(%arg10 : memref<40x128xf32, #tpu.memory_space<vmem>>) offsets(%dma_start3A_26 : memref<40xi32, #tpu.memory_space<vmem>>) semaphore(%arg16 : memref<!tpu.dma_semaphore, #tpu.memory_space<semaphore_mem>>)
    %dma_start3A_30 = arith.constant 40 : i32
    %dma_start3A_31 = tpu.memref_slice %arg8[%dma_start3A_30] : memref<10000xi32, #tpu.memory_space<vmem>> -> memref<40xi32, #tpu.memory_space<vmem>>
    %dma_start3A_32 = arith.constant 0 : i32
    %dma_start3A_33 = arith.constant 0 : i32
    %dma_start3A_34 = tpu.memref_slice %arg6[%dma_start3A_32, %dma_start3A_33] : memref<10000x128xf32, #tpu.memory_space<vmem_shared>> -> memref<10000x128xf32, #tpu.memory_space<vmem_shared>>
    tpu.enqueue_indirect_dma source(%dma_start3A_34 : memref<10000x128xf32, #tpu.memory_space<vmem_shared>>) target(%arg12 : memref<40x128xf32, #tpu.memory_space<vmem>>) offsets(%dma_start3A_31 : memref<40xi32, #tpu.memory_space<vmem>>) semaphore(%arg18 : memref<!tpu.dma_semaphore, #tpu.memory_space<semaphore_mem>>)
    %scan3A = arith.constant 0 : i32
    %scan3A_35 = arith.constant 0 : i32
    %scan3A_36 = arith.constant 125 : i32
    %scan3A_37 = arith.addi %scan3A_35, %scan3A_36 : i32
    %scan3A_38 = arith.constant 1 : i32
    scf.for %scan3A_52 = %scan3A_35 to %scan3A_37 step %scan3A_38  : i32 {
      %mul3A_53 = arith.constant 2 : i32
      %mul3A_54 = arith.muli %scan3A_52, %mul3A_53 : i32
      %add3A_55 = arith.constant 0 : i32
      %add3A_56 = arith.addi %mul3A_54, %add3A_55 : i32
      %dma_wait3A_57 = arith.constant 0 : i32
      %dma_wait3A_58 = arith.constant 0 : i32
      %dma_wait3A_59 = tpu.memref_slice %arg6[%dma_wait3A_57, %dma_wait3A_58] : memref<10000x128xf32, #tpu.memory_space<vmem_shared>> -> memref<40x128xf32, #tpu.memory_space<vmem_shared>>
      %dma_wait3A_60 = arith.constant 0 : i32
      %dma_wait3A_61 = arith.constant 0 : i32
      %dma_wait3A_62 = tpu.memref_slice %arg6[%dma_wait3A_60, %dma_wait3A_61] : memref<10000x128xf32, #tpu.memory_space<vmem_shared>> -> memref<40x128xf32, #tpu.memory_space<vmem_shared>>
      tpu.wait_dma2 semaphore(%arg15 : memref<!tpu.dma_semaphore, #tpu.memory_space<semaphore_mem>>) src(%dma_wait3A_62 : memref<40x128xf32, #tpu.memory_space<vmem_shared>>) dst(%arg9 : memref<40x128xf32, #tpu.memory_space<vmem>>)
      %dma_wait3A_63 = arith.constant 0 : i32
      %dma_wait3A_64 = arith.constant 0 : i32
      %dma_wait3A_65 = tpu.memref_slice %arg6[%dma_wait3A_63, %dma_wait3A_64] : memref<10000x128xf32, #tpu.memory_space<vmem_shared>> -> memref<40x128xf32, #tpu.memory_space<vmem_shared>>
      %dma_wait3A_66 = arith.constant 0 : i32
      %dma_wait3A_67 = arith.constant 0 : i32
      %dma_wait3A_68 = tpu.memref_slice %arg6[%dma_wait3A_66, %dma_wait3A_67] : memref<10000x128xf32, #tpu.memory_space<vmem_shared>> -> memref<40x128xf32, #tpu.memory_space<vmem_shared>>
      tpu.wait_dma2 semaphore(%arg17 : memref<!tpu.dma_semaphore, #tpu.memory_space<semaphore_mem>>) src(%dma_wait3A_68 : memref<40x128xf32, #tpu.memory_space<vmem_shared>>) dst(%arg11 : memref<40x128xf32, #tpu.memory_space<vmem>>)
      %ge3A = arith.constant 1 : i32
      %ge3A_69 = arith.cmpi sge, %scan3A_52, %ge3A : i32
      %convert_element_type3A_70 = arith.extui %ge3A_69 : i1 to i32
      %cond3A_71 = arith.constant 0 : i32
      %cond3A_72 = arith.cmpi ne, %convert_element_type3A_70, %cond3A_71 : i32
      scf.if %cond3A_72 {
        %dma_wait3A_126 = arith.constant 0 : i32
        %dma_wait3A_127 = arith.constant 0 : i32
        %dma_wait3A_128 = tpu.memref_slice %arg5[%dma_wait3A_126, %dma_wait3A_127] : memref<320000x128xf32, #tpu.memory_space<hbm>> -> memref<40x128xf32, #tpu.memory_space<hbm>>
        %dma_wait3A_129 = arith.constant 0 : i32
        %dma_wait3A_130 = arith.constant 0 : i32
        %dma_wait3A_131 = tpu.memref_slice %arg5[%dma_wait3A_129, %dma_wait3A_130] : memref<320000x128xf32, #tpu.memory_space<hbm>> -> memref<40x128xf32, #tpu.memory_space<hbm>>
        tpu.wait_dma2 semaphore(%arg19 : memref<!tpu.dma_semaphore, #tpu.memory_space<semaphore_mem>>) src(%arg13 : memref<40x128xf32, #tpu.memory_space<vmem>>) dst(%dma_wait3A_131 : memref<40x128xf32, #tpu.memory_space<hbm>>)
      } else {
      }
      %parallel_loop3A = arith.constant 0 : i32
      %parallel_loop3A_73 = arith.constant 40 : i32
      %parallel_loop3A_74 = arith.constant 1 : i32
      scf.for %parallel_loop3A_126 = %parallel_loop3A to %parallel_loop3A_73 step %parallel_loop3A_74  : i32 {
        %parallel_loop3A_127 = arith.index_cast %parallel_loop3A_126 : i32 to index
        %parallel_loop3A_128 = arith.constant 0 : index
        %parallel_loop3A_129 = tpu.vector_load %arg9[%parallel_loop3A_127, %parallel_loop3A_128] {strides = array<i32>} : memref<40x128xf32, #tpu.memory_space<vmem>>, vector<1x16xf32>,
        %parallel_loop3A_130 = vector.shape_cast %parallel_loop3A_129 : vector<1x16xf32> to vector<16xf32>
        %parallel_loop3A_131 = arith.index_cast %parallel_loop3A_126 : i32 to index
        %parallel_loop3A_132 = arith.constant 0 : index
        %parallel_loop3A_133 = tpu.vector_load %arg11[%parallel_loop3A_131, %parallel_loop3A_132] {strides = array<i32>} : memref<40x128xf32, #tpu.memory_space<vmem>>, vector<1x16xf32>,
        %parallel_loop3A_134 = vector.shape_cast %parallel_loop3A_133 : vector<1x16xf32> to vector<16xf32>
        %parallel_loop3A_135 = arith.mulf %parallel_loop3A_130, %parallel_loop3A_134 : vector<16xf32>
        %parallel_loop3A_136 = arith.index_cast %parallel_loop3A_126 : i32 to index
        %parallel_loop3A_137 = arith.constant 0 : index
        %parallel_loop3A_138 = tpu.vector_load %arg13[%parallel_loop3A_136, %parallel_loop3A_137] {strides = array<i32>} : memref<40x128xf32, #tpu.memory_space<vmem>>, vector<1x16xf32>,
        %parallel_loop3A_139 = vector.shape_cast %parallel_loop3A_138 : vector<1x16xf32> to vector<16xf32>
        %parallel_loop3A_140 = vector.shape_cast %parallel_loop3A_135 : vector<16xf32> to vector<1x16xf32>
        tpu.vector_store %arg13[%parallel_loop3A_136, %parallel_loop3A_137], %parallel_loop3A_140 {strides = array<i32>} : memref<40x128xf32, #tpu.memory_space<vmem>>, vector<1x16xf32>,
        %parallel_loop3A_141 = arith.index_cast %parallel_loop3A_126 : i32 to index
        %parallel_loop3A_142 = arith.constant 16 : index
        %parallel_loop3A_143 = tpu.vector_load %arg9[%parallel_loop3A_141, %parallel_loop3A_142] {strides = array<i32>} : memref<40x128xf32, #tpu.memory_space<vmem>>, vector<1x16xf32>,
        %parallel_loop3A_144 = vector.shape_cast %parallel_loop3A_143 : vector<1x16xf32> to vector<16xf32>
        %parallel_loop3A_145 = arith.index_cast %parallel_loop3A_126 : i32 to index
        %parallel_loop3A_146 = arith.constant 16 : index
        %parallel_loop3A_147 = tpu.vector_load %arg11[%parallel_loop3A_145, %parallel_loop3A_146] {strides = array<i32>} : memref<40x128xf32, #tpu.memory_space<vmem>>, vector<1x16xf32>,
        %parallel_loop3A_148 = vector.shape_cast %parallel_loop3A_147 : vector<1x16xf32> to vector<16xf32>
        %parallel_loop3A_149 = arith.mulf %parallel_loop3A_144, %parallel_loop3A_148 : vector<16xf32>
        %parallel_loop3A_150 = arith.index_cast %parallel_loop3A_126 : i32 to index
        %parallel_loop3A_151 = arith.constant 16 : index
        %parallel_loop3A_152 = tpu.vector_load %arg13[%parallel_loop3A_150, %parallel_loop3A_151] {strides = array<i32>} : memref<40x128xf32, #tpu.memory_space<vmem>>, vector<1x16xf32>,
        %parallel_loop3A_153 = vector.shape_cast %parallel_loop3A_152 : vector<1x16xf32> to vector<16xf32>
        %parallel_loop3A_154 = vector.shape_cast %parallel_loop3A_149 : vector<16xf32> to vector<1x16xf32>
        tpu.vector_store %arg13[%parallel_loop3A_150, %parallel_loop3A_151], %parallel_loop3A_154 {strides = array<i32>} : memref<40x128xf32, #tpu.memory_space<vmem>>, vector<1x16xf32>,
        %parallel_loop3A_155 = arith.index_cast %parallel_loop3A_126 : i32 to index
        %parallel_loop3A_156 = arith.constant 32 : index
        %parallel_loop3A_157 = tpu.vector_load %arg9[%parallel_loop3A_155, %parallel_loop3A_156] {strides = array<i32>} : memref<40x128xf32, #tpu.memory_space<vmem>>, vector<1x16xf32>,
        %parallel_loop3A_158 = vector.shape_cast %parallel_loop3A_157 : vector<1x16xf32> to vector<16xf32>
        %parallel_loop3A_159 = arith.index_cast %parallel_loop3A_126 : i32 to index
        %parallel_loop3A_160 = arith.constant 32 : index
        %parallel_loop3A_161 = tpu.vector_load %arg11[%parallel_loop3A_159, %parallel_loop3A_160] {strides = array<i32>} : memref<40x128xf32, #tpu.memory_space<vmem>>, vector<1x16xf32>,
        %parallel_loop3A_162 = vector.shape_cast %parallel_loop3A_161 : vector<1x16xf32> to vector<16xf32>
        %parallel_loop3A_163 = arith.mulf %parallel_loop3A_158, %parallel_loop3A_162 : vector<16xf32>
        %parallel_loop3A_164 = arith.index_cast %parallel_loop3A_126 : i32 to index
        %parallel_loop3A_165 = arith.constant 32 : index
        %parallel_loop3A_166 = tpu.vector_load %arg13[%parallel_loop3A_164, %parallel_loop3A_165] {strides = array<i32>} : memref<40x128xf32, #tpu.memory_space<vmem>>, vector<1x16xf32>,
        %parallel_loop3A_167 = vector.shape_cast %parallel_loop3A_166 : vector<1x16xf32> to vector<16xf32>
        %parallel_loop3A_168 = vector.shape_cast %parallel_loop3A_163 : vector<16xf32> to vector<1x16xf32>
        tpu.vector_store %arg13[%parallel_loop3A_164, %parallel_loop3A_165], %parallel_loop3A_168 {strides = array<i32>} : memref<40x128xf32, #tpu.memory_space<vmem>>, vector<1x16xf32>,
        %parallel_loop3A_169 = arith.index_cast %parallel_loop3A_126 : i32 to index
        %parallel_loop3A_170 = arith.constant 48 : index
        %parallel_loop3A_171 = tpu.vector_load %arg9[%parallel_loop3A_169, %parallel_loop3A_170] {strides = array<i32>} : memref<40x128xf32, #tpu.memory_space<vmem>>, vector<1x16xf32>,
        %parallel_loop3A_172 = vector.shape_cast %parallel_loop3A_171 : vector<1x16xf32> to vector<16xf32>
        %parallel_loop3A_173 = arith.index_cast %parallel_loop3A_126 : i32 to index
        %parallel_loop3A_174 = arith.constant 48 : index
        %parallel_loop3A_175 = tpu.vector_load %arg11[%parallel_loop3A_173, %parallel_loop3A_174] {strides = array<i32>} : memref<40x128xf32, #tpu.memory_space<vmem>>, vector<1x16xf32>,
        %parallel_loop3A_176 = vector.shape_cast %parallel_loop3A_175 : vector<1x16xf32> to vector<16xf32>
        %parallel_loop3A_177 = arith.mulf %parallel_loop3A_172, %parallel_loop3A_176 : vector<16xf32>
        %parallel_loop3A_178 = arith.index_cast %parallel_loop3A_126 : i32 to index
        %parallel_loop3A_179 = arith.constant 48 : index
        %parallel_loop3A_180 = tpu.vector_load %arg13[%parallel_loop3A_178, %parallel_loop3A_179] {strides = array<i32>} : memref<40x128xf32, #tpu.memory_space<vmem>>, vector<1x16xf32>,
        %parallel_loop3A_181 = vector.shape_cast %parallel_loop3A_180 : vector<1x16xf32> to vector<16xf32>
        %parallel_loop3A_182 = vector.shape_cast %parallel_loop3A_177 : vector<16xf32> to vector<1x16xf32>
        tpu.vector_store %arg13[%parallel_loop3A_178, %parallel_loop3A_179], %parallel_loop3A_182 {strides = array<i32>} : memref<40x128xf32, #tpu.memory_space<vmem>>, vector<1x16xf32>,
        %parallel_loop3A_183 = arith.index_cast %parallel_loop3A_126 : i32 to index
        %parallel_loop3A_184 = arith.constant 64 : index
        %parallel_loop3A_185 = tpu.vector_load %arg9[%parallel_loop3A_183, %parallel_loop3A_184] {strides = array<i32>} : memref<40x128xf32, #tpu.memory_space<vmem>>, vector<1x16xf32>,
        %parallel_loop3A_186 = vector.shape_cast %parallel_loop3A_185 : vector<1x16xf32> to vector<16xf32>
        %parallel_loop3A_187 = arith.index_cast %parallel_loop3A_126 : i32 to index
        %parallel_loop3A_188 = arith.constant 64 : index
        %parallel_loop3A_189 = tpu.vector_load %arg11[%parallel_loop3A_187, %parallel_loop3A_188] {strides = array<i32>} : memref<40x128xf32, #tpu.memory_space<vmem>>, vector<1x16xf32>,
        %parallel_loop3A_190 = vector.shape_cast %parallel_loop3A_189 : vector<1x16xf32> to vector<16xf32>
        %parallel_loop3A_191 = arith.mulf %parallel_loop3A_186, %parallel_loop3A_190 : vector<16xf32>
        %parallel_loop3A_192 = arith.index_cast %parallel_loop3A_126 : i32 to index
        %parallel_loop3A_193 = arith.constant 64 : index
        %parallel_loop3A_194 = tpu.vector_load %arg13[%parallel_loop3A_192, %parallel_loop3A_193] {strides = array<i32>} : memref<40x128xf32, #tpu.memory_space<vmem>>, vector<1x16xf32>,
        %parallel_loop3A_195 = vector.shape_cast %parallel_loop3A_194 : vector<1x16xf32> to vector<16xf32>
        %parallel_loop3A_196 = vector.shape_cast %parallel_loop3A_191 : vector<16xf32> to vector<1x16xf32>
        tpu.vector_store %arg13[%parallel_loop3A_192, %parallel_loop3A_193], %parallel_loop3A_196 {strides = array<i32>} : memref<40x128xf32, #tpu.memory_space<vmem>>, vector<1x16xf32>,
        %parallel_loop3A_197 = arith.index_cast %parallel_loop3A_126 : i32 to index
        %parallel_loop3A_198 = arith.constant 80 : index
        %parallel_loop3A_199 = tpu.vector_load %arg9[%parallel_loop3A_197, %parallel_loop3A_198] {strides = array<i32>} : memref<40x128xf32, #tpu.memory_space<vmem>>, vector<1x16xf32>,
        %parallel_loop3A_200 = vector.shape_cast %parallel_loop3A_199 : vector<1x16xf32> to vector<16xf32>
        %parallel_loop3A_201 = arith.index_cast %parallel_loop3A_126 : i32 to index
        %parallel_loop3A_202 = arith.constant 80 : index
        %parallel_loop3A_203 = tpu.vector_load %arg11[%parallel_loop3A_201, %parallel_loop3A_202] {strides = array<i32>} : memref<40x128xf32, #tpu.memory_space<vmem>>, vector<1x16xf32>,
        %parallel_loop3A_204 = vector.shape_cast %parallel_loop3A_203 : vector<1x16xf32> to vector<16xf32>
        %parallel_loop3A_205 = arith.mulf %parallel_loop3A_200, %parallel_loop3A_204 : vector<16xf32>
        %parallel_loop3A_206 = arith.index_cast %parallel_loop3A_126 : i32 to index
        %parallel_loop3A_207 = arith.constant 80 : index
        %parallel_loop3A_208 = tpu.vector_load %arg13[%parallel_loop3A_206, %parallel_loop3A_207] {strides = array<i32>} : memref<40x128xf32, #tpu.memory_space<vmem>>, vector<1x16xf32>,
        %parallel_loop3A_209 = vector.shape_cast %parallel_loop3A_208 : vector<1x16xf32> to vector<16xf32>
        %parallel_loop3A_210 = vector.shape_cast %parallel_loop3A_205 : vector<16xf32> to vector<1x16xf32>
        tpu.vector_store %arg13[%parallel_loop3A_206, %parallel_loop3A_207], %parallel_loop3A_210 {strides = array<i32>} : memref<40x128xf32, #tpu.memory_space<vmem>>, vector<1x16xf32>,
        %parallel_loop3A_211 = arith.index_cast %parallel_loop3A_126 : i32 to index
        %parallel_loop3A_212 = arith.constant 96 : index
        %parallel_loop3A_213 = tpu.vector_load %arg9[%parallel_loop3A_211, %parallel_loop3A_212] {strides = array<i32>} : memref<40x128xf32, #tpu.memory_space<vmem>>, vector<1x16xf32>,
        %parallel_loop3A_214 = vector.shape_cast %parallel_loop3A_213 : vector<1x16xf32> to vector<16xf32>
        %parallel_loop3A_215 = arith.index_cast %parallel_loop3A_126 : i32 to index
        %parallel_loop3A_216 = arith.constant 96 : index
        %parallel_loop3A_217 = tpu.vector_load %arg11[%parallel_loop3A_215, %parallel_loop3A_216] {strides = array<i32>} : memref<40x128xf32, #tpu.memory_space<vmem>>, vector<1x16xf32>,
        %parallel_loop3A_218 = vector.shape_cast %parallel_loop3A_217 : vector<1x16xf32> to vector<16xf32>
        %parallel_loop3A_219 = arith.mulf %parallel_loop3A_214, %parallel_loop3A_218 : vector<16xf32>
        %parallel_loop3A_220 = arith.index_cast %parallel_loop3A_126 : i32 to index
        %parallel_loop3A_221 = arith.constant 96 : index
        %parallel_loop3A_222 = tpu.vector_load %arg13[%parallel_loop3A_220, %parallel_loop3A_221] {strides = array<i32>} : memref<40x128xf32, #tpu.memory_space<vmem>>, vector<1x16xf32>,
        %parallel_loop3A_223 = vector.shape_cast %parallel_loop3A_222 : vector<1x16xf32> to vector<16xf32>
        %parallel_loop3A_224 = vector.shape_cast %parallel_loop3A_219 : vector<16xf32> to vector<1x16xf32>
        tpu.vector_store %arg13[%parallel_loop3A_220, %parallel_loop3A_221], %parallel_loop3A_224 {strides = array<i32>} : memref<40x128xf32, #tpu.memory_space<vmem>>, vector<1x16xf32>,
        %parallel_loop3A_225 = arith.index_cast %parallel_loop3A_126 : i32 to index
        %parallel_loop3A_226 = arith.constant 112 : index
        %parallel_loop3A_227 = tpu.vector_load %arg9[%parallel_loop3A_225, %parallel_loop3A_226] {strides = array<i32>} : memref<40x128xf32, #tpu.memory_space<vmem>>, vector<1x16xf32>,
        %parallel_loop3A_228 = vector.shape_cast %parallel_loop3A_227 : vector<1x16xf32> to vector<16xf32>
        %parallel_loop3A_229 = arith.index_cast %parallel_loop3A_126 : i32 to index
        %parallel_loop3A_230 = arith.constant 112 : index
        %parallel_loop3A_231 = tpu.vector_load %arg11[%parallel_loop3A_229, %parallel_loop3A_230] {strides = array<i32>} : memref<40x128xf32, #tpu.memory_space<vmem>>, vector<1x16xf32>,
        %parallel_loop3A_232 = vector.shape_cast %parallel_loop3A_231 : vector<1x16xf32> to vector<16xf32>
        %parallel_loop3A_233 = arith.mulf %parallel_loop3A_228, %parallel_loop3A_232 : vector<16xf32>
        %parallel_loop3A_234 = arith.index_cast %parallel_loop3A_126 : i32 to index
        %parallel_loop3A_235 = arith.constant 112 : index
        %parallel_loop3A_236 = tpu.vector_load %arg13[%parallel_loop3A_234, %parallel_loop3A_235] {strides = array<i32>} : memref<40x128xf32, #tpu.memory_space<vmem>>, vector<1x16xf32>,
        %parallel_loop3A_237 = vector.shape_cast %parallel_loop3A_236 : vector<1x16xf32> to vector<16xf32>
        %parallel_loop3A_238 = vector.shape_cast %parallel_loop3A_233 : vector<16xf32> to vector<1x16xf32>
        tpu.vector_store %arg13[%parallel_loop3A_234, %parallel_loop3A_235], %parallel_loop3A_238 {strides = array<i32>} : memref<40x128xf32, #tpu.memory_space<vmem>>, vector<1x16xf32>,
      } {sc.loop_unroll_factor = 8 : i64, sc.parallel_access}
      %mul3A_75 = arith.constant 40 : i32
      %mul3A_76 = arith.muli %add3A_56, %mul3A_75 : i32
      %add3A_77 = arith.addi %mul3A_2, %mul3A_76 : i32
      %dma_start3A_78 = arith.constant 0 : i32
      %dma_start3A_79 = tpu.memref_slice %arg5[%add3A_77, %dma_start3A_78] : memref<320000x128xf32, #tpu.memory_space<hbm>> -> memref<40x128xf32, #tpu.memory_space<hbm>>
      %dma_start3A_80 = arith.constant 0 : i32
      %dma_start3A_81 = tpu.memref_slice %arg5[%add3A_77, %dma_start3A_80] : memref<320000x128xf32, #tpu.memory_space<hbm>> -> memref<40x128xf32, #tpu.memory_space<hbm>>
      tpu.enqueue_dma source(%arg13 : memref<40x128xf32, #tpu.memory_space<vmem>>) target(%dma_start3A_81 : memref<40x128xf32, #tpu.memory_space<hbm>>) target_semaphore(%arg19 : memref<!tpu.dma_semaphore, #tpu.memory_space<semaphore_mem>>)
      %add3A_82 = arith.constant 2 : i32
      %add3A_83 = arith.addi %add3A_56, %add3A_82 : i32
      %lt3A = arith.constant 250 : i32
      %lt3A_84 = arith.cmpi slt, %add3A_83, %lt3A : i32
      %convert_element_type3A_85 = arith.extui %lt3A_84 : i1 to i32
      %cond3A_86 = arith.constant 0 : i32
      %cond3A_87 = arith.cmpi ne, %convert_element_type3A_85, %cond3A_86 : i32
      scf.if %cond3A_87 {
        %add3A_126 = arith.constant 2 : i32
        %add3A_127 = arith.addi %add3A_56, %add3A_126 : i32
        %mul3A_128 = arith.constant 40 : i32
        %mul3A_129 = arith.muli %add3A_127, %mul3A_128 : i32
        %dma_start3A_130 = tpu.memref_slice %arg7[%mul3A_129] : memref<10000xi32, #tpu.memory_space<vmem>> -> memref<40xi32, #tpu.memory_space<vmem>>
        %dma_start3A_131 = arith.constant 0 : i32
        %dma_start3A_132 = arith.constant 0 : i32
        %dma_start3A_133 = tpu.memref_slice %arg6[%dma_start3A_131, %dma_start3A_132] : memref<10000x128xf32, #tpu.memory_space<vmem_shared>> -> memref<10000x128xf32, #tpu.memory_space<vmem_shared>>
        tpu.enqueue_indirect_dma source(%dma_start3A_133 : memref<10000x128xf32, #tpu.memory_space<vmem_shared>>) target(%arg9 : memref<40x128xf32, #tpu.memory_space<vmem>>) offsets(%dma_start3A_130 : memref<40xi32, #tpu.memory_space<vmem>>) semaphore(%arg15 : memref<!tpu.dma_semaphore, #tpu.memory_space<semaphore_mem>>)
        %dma_start3A_134 = tpu.memref_slice %arg8[%mul3A_129] : memref<10000xi32, #tpu.memory_space<vmem>> -> memref<40xi32, #tpu.memory_space<vmem>>
        %dma_start3A_135 = arith.constant 0 : i32
        %dma_start3A_136 = arith.constant 0 : i32
        %dma_start3A_137 = tpu.memref_slice %arg6[%dma_start3A_135, %dma_start3A_136] : memref<10000x128xf32, #tpu.memory_space<vmem_shared>> -> memref<10000x128xf32, #tpu.memory_space<vmem_shared>>
        tpu.enqueue_indirect_dma source(%dma_start3A_137 : memref<10000x128xf32, #tpu.memory_space<vmem_shared>>) target(%arg11 : memref<40x128xf32, #tpu.memory_space<vmem>>) offsets(%dma_start3A_134 : memref<40xi32, #tpu.memory_space<vmem>>) semaphore(%arg17 : memref<!tpu.dma_semaphore, #tpu.memory_space<semaphore_mem>>)
      } else {
      }
      %mul3A_88 = arith.constant 2 : i32
      %mul3A_89 = arith.muli %scan3A_52, %mul3A_88 : i32
      %add3A_90 = arith.constant 1 : i32
      %add3A_91 = arith.addi %mul3A_89, %add3A_90 : i32
      %dma_wait3A_92 = arith.constant 0 : i32
      %dma_wait3A_93 = arith.constant 0 : i32
      %dma_wait3A_94 = tpu.memref_slice %arg6[%dma_wait3A_92, %dma_wait3A_93] : memref<10000x128xf32, #tpu.memory_space<vmem_shared>> -> memref<40x128xf32, #tpu.memory_space<vmem_shared>>
      %dma_wait3A_95 = arith.constant 0 : i32
      %dma_wait3A_96 = arith.constant 0 : i32
      %dma_wait3A_97 = tpu.memref_slice %arg6[%dma_wait3A_95, %dma_wait3A_96] : memref<10000x128xf32, #tpu.memory_space<vmem_shared>> -> memref<40x128xf32, #tpu.memory_space<vmem_shared>>
      tpu.wait_dma2 semaphore(%arg16 : memref<!tpu.dma_semaphore, #tpu.memory_space<semaphore_mem>>) src(%dma_wait3A_97 : memref<40x128xf32, #tpu.memory_space<vmem_shared>>) dst(%arg10 : memref<40x128xf32, #tpu.memory_space<vmem>>)
      %dma_wait3A_98 = arith.constant 0 : i32
      %dma_wait3A_99 = arith.constant 0 : i32
      %dma_wait3A_100 = tpu.memref_slice %arg6[%dma_wait3A_98, %dma_wait3A_99] : memref<10000x128xf32, #tpu.memory_space<vmem_shared>> -> memref<40x128xf32, #tpu.memory_space<vmem_shared>>
      %dma_wait3A_101 = arith.constant 0 : i32
      %dma_wait3A_102 = arith.constant 0 : i32
      %dma_wait3A_103 = tpu.memref_slice %arg6[%dma_wait3A_101, %dma_wait3A_102] : memref<10000x128xf32, #tpu.memory_space<vmem_shared>> -> memref<40x128xf32, #tpu.memory_space<vmem_shared>>
      tpu.wait_dma2 semaphore(%arg18 : memref<!tpu.dma_semaphore, #tpu.memory_space<semaphore_mem>>) src(%dma_wait3A_103 : memref<40x128xf32, #tpu.memory_space<vmem_shared>>) dst(%arg12 : memref<40x128xf32, #tpu.memory_space<vmem>>)
      %ge3A_104 = arith.constant 1 : i32
      %ge3A_105 = arith.cmpi sge, %scan3A_52, %ge3A_104 : i32
      %convert_element_type3A_106 = arith.extui %ge3A_105 : i1 to i32
      %cond3A_107 = arith.constant 0 : i32
      %cond3A_108 = arith.cmpi ne, %convert_element_type3A_106, %cond3A_107 : i32
      scf.if %cond3A_108 {
        %dma_wait3A_126 = arith.constant 0 : i32
        %dma_wait3A_127 = arith.constant 0 : i32
        %dma_wait3A_128 = tpu.memref_slice %arg5[%dma_wait3A_126, %dma_wait3A_127] : memref<320000x128xf32, #tpu.memory_space<hbm>> -> memref<40x128xf32, #tpu.memory_space<hbm>>
        %dma_wait3A_129 = arith.constant 0 : i32
        %dma_wait3A_130 = arith.constant 0 : i32
        %dma_wait3A_131 = tpu.memref_slice %arg5[%dma_wait3A_129, %dma_wait3A_130] : memref<320000x128xf32, #tpu.memory_space<hbm>> -> memref<40x128xf32, #tpu.memory_space<hbm>>
        tpu.wait_dma2 semaphore(%arg20 : memref<!tpu.dma_semaphore, #tpu.memory_space<semaphore_mem>>) src(%arg14 : memref<40x128xf32, #tpu.memory_space<vmem>>) dst(%dma_wait3A_131 : memref<40x128xf32, #tpu.memory_space<hbm>>)
      } else {
      }
      %parallel_loop3A_109 = arith.constant 0 : i32
      %parallel_loop3A_110 = arith.constant 40 : i32
      %parallel_loop3A_111 = arith.constant 1 : i32
      scf.for %parallel_loop3A_126 = %parallel_loop3A_109 to %parallel_loop3A_110 step %parallel_loop3A_111  : i32 {
        %parallel_loop3A_127 = arith.index_cast %parallel_loop3A_126 : i32 to index
        %parallel_loop3A_128 = arith.constant 0 : index
        %parallel_loop3A_129 = tpu.vector_load %arg10[%parallel_loop3A_127, %parallel_loop3A_128] {strides = array<i32>} : memref<40x128xf32, #tpu.memory_space<vmem>>, vector<1x16xf32>,
        %parallel_loop3A_130 = vector.shape_cast %parallel_loop3A_129 : vector<1x16xf32> to vector<16xf32>
        %parallel_loop3A_131 = arith.index_cast %parallel_loop3A_126 : i32 to index
        %parallel_loop3A_132 = arith.constant 0 : index
        %parallel_loop3A_133 = tpu.vector_load %arg12[%parallel_loop3A_131, %parallel_loop3A_132] {strides = array<i32>} : memref<40x128xf32, #tpu.memory_space<vmem>>, vector<1x16xf32>,
        %parallel_loop3A_134 = vector.shape_cast %parallel_loop3A_133 : vector<1x16xf32> to vector<16xf32>
        %parallel_loop3A_135 = arith.mulf %parallel_loop3A_130, %parallel_loop3A_134 : vector<16xf32>
        %parallel_loop3A_136 = arith.index_cast %parallel_loop3A_126 : i32 to index
        %parallel_loop3A_137 = arith.constant 0 : index
        %parallel_loop3A_138 = tpu.vector_load %arg14[%parallel_loop3A_136, %parallel_loop3A_137] {strides = array<i32>} : memref<40x128xf32, #tpu.memory_space<vmem>>, vector<1x16xf32>,
        %parallel_loop3A_139 = vector.shape_cast %parallel_loop3A_138 : vector<1x16xf32> to vector<16xf32>
        %parallel_loop3A_140 = vector.shape_cast %parallel_loop3A_135 : vector<16xf32> to vector<1x16xf32>
        tpu.vector_store %arg14[%parallel_loop3A_136, %parallel_loop3A_137], %parallel_loop3A_140 {strides = array<i32>} : memref<40x128xf32, #tpu.memory_space<vmem>>, vector<1x16xf32>,
        %parallel_loop3A_141 = arith.index_cast %parallel_loop3A_126 : i32 to index
        %parallel_loop3A_142 = arith.constant 16 : index
        %parallel_loop3A_143 = tpu.vector_load %arg10[%parallel_loop3A_141, %parallel_loop3A_142] {strides = array<i32>} : memref<40x128xf32, #tpu.memory_space<vmem>>, vector<1x16xf32>,
        %parallel_loop3A_144 = vector.shape_cast %parallel_loop3A_143 : vector<1x16xf32> to vector<16xf32>
        %parallel_loop3A_145 = arith.index_cast %parallel_loop3A_126 : i32 to index
        %parallel_loop3A_146 = arith.constant 16 : index
        %parallel_loop3A_147 = tpu.vector_load %arg12[%parallel_loop3A_145, %parallel_loop3A_146] {strides = array<i32>} : memref<40x128xf32, #tpu.memory_space<vmem>>, vector<1x16xf32>,
        %parallel_loop3A_148 = vector.shape_cast %parallel_loop3A_147 : vector<1x16xf32> to vector<16xf32>
        %parallel_loop3A_149 = arith.mulf %parallel_loop3A_144, %parallel_loop3A_148 : vector<16xf32>
        %parallel_loop3A_150 = arith.index_cast %parallel_loop3A_126 : i32 to index
        %parallel_loop3A_151 = arith.constant 16 : index
        %parallel_loop3A_152 = tpu.vector_load %arg14[%parallel_loop3A_150, %parallel_loop3A_151] {strides = array<i32>} : memref<40x128xf32, #tpu.memory_space<vmem>>, vector<1x16xf32>,
        %parallel_loop3A_153 = vector.shape_cast %parallel_loop3A_152 : vector<1x16xf32> to vector<16xf32>
        %parallel_loop3A_154 = vector.shape_cast %parallel_loop3A_149 : vector<16xf32> to vector<1x16xf32>
        tpu.vector_store %arg14[%parallel_loop3A_150, %parallel_loop3A_151], %parallel_loop3A_154 {strides = array<i32>} : memref<40x128xf32, #tpu.memory_space<vmem>>, vector<1x16xf32>,
        %parallel_loop3A_155 = arith.index_cast %parallel_loop3A_126 : i32 to index
        %parallel_loop3A_156 = arith.constant 32 : index
        %parallel_loop3A_157 = tpu.vector_load %arg10[%parallel_loop3A_155, %parallel_loop3A_156] {strides = array<i32>} : memref<40x128xf32, #tpu.memory_space<vmem>>, vector<1x16xf32>,
        %parallel_loop3A_158 = vector.shape_cast %parallel_loop3A_157 : vector<1x16xf32> to vector<16xf32>
        %parallel_loop3A_159 = arith.index_cast %parallel_loop3A_126 : i32 to index
        %parallel_loop3A_160 = arith.constant 32 : index
        %parallel_loop3A_161 = tpu.vector_load %arg12[%parallel_loop3A_159, %parallel_loop3A_160] {strides = array<i32>} : memref<40x128xf32, #tpu.memory_space<vmem>>, vector<1x16xf32>,
        %parallel_loop3A_162 = vector.shape_cast %parallel_loop3A_161 : vector<1x16xf32> to vector<16xf32>
        %parallel_loop3A_163 = arith.mulf %parallel_loop3A_158, %parallel_loop3A_162 : vector<16xf32>
        %parallel_loop3A_164 = arith.index_cast %parallel_loop3A_126 : i32 to index
        %parallel_loop3A_165 = arith.constant 32 : index
        %parallel_loop3A_166 = tpu.vector_load %arg14[%parallel_loop3A_164, %parallel_loop3A_165] {strides = array<i32>} : memref<40x128xf32, #tpu.memory_space<vmem>>, vector<1x16xf32>,
        %parallel_loop3A_167 = vector.shape_cast %parallel_loop3A_166 : vector<1x16xf32> to vector<16xf32>
        %parallel_loop3A_168 = vector.shape_cast %parallel_loop3A_163 : vector<16xf32> to vector<1x16xf32>
        tpu.vector_store %arg14[%parallel_loop3A_164, %parallel_loop3A_165], %parallel_loop3A_168 {strides = array<i32>} : memref<40x128xf32, #tpu.memory_space<vmem>>, vector<1x16xf32>,
        %parallel_loop3A_169 = arith.index_cast %parallel_loop3A_126 : i32 to index
        %parallel_loop3A_170 = arith.constant 48 : index
        %parallel_loop3A_171 = tpu.vector_load %arg10[%parallel_loop3A_169, %parallel_loop3A_170] {strides = array<i32>} : memref<40x128xf32, #tpu.memory_space<vmem>>, vector<1x16xf32>,
        %parallel_loop3A_172 = vector.shape_cast %parallel_loop3A_171 : vector<1x16xf32> to vector<16xf32>
        %parallel_loop3A_173 = arith.index_cast %parallel_loop3A_126 : i32 to index
        %parallel_loop3A_174 = arith.constant 48 : index
        %parallel_loop3A_175 = tpu.vector_load %arg12[%parallel_loop3A_173, %parallel_loop3A_174] {strides = array<i32>} : memref<40x128xf32, #tpu.memory_space<vmem>>, vector<1x16xf32>,
        %parallel_loop3A_176 = vector.shape_cast %parallel_loop3A_175 : vector<1x16xf32> to vector<16xf32>
        %parallel_loop3A_177 = arith.mulf %parallel_loop3A_172, %parallel_loop3A_176 : vector<16xf32>
        %parallel_loop3A_178 = arith.index_cast %parallel_loop3A_126 : i32 to index
        %parallel_loop3A_179 = arith.constant 48 : index
        %parallel_loop3A_180 = tpu.vector_load %arg14[%parallel_loop3A_178, %parallel_loop3A_179] {strides = array<i32>} : memref<40x128xf32, #tpu.memory_space<vmem>>, vector<1x16xf32>,
        %parallel_loop3A_181 = vector.shape_cast %parallel_loop3A_180 : vector<1x16xf32> to vector<16xf32>
        %parallel_loop3A_182 = vector.shape_cast %parallel_loop3A_177 : vector<16xf32> to vector<1x16xf32>
        tpu.vector_store %arg14[%parallel_loop3A_178, %parallel_loop3A_179], %parallel_loop3A_182 {strides = array<i32>} : memref<40x128xf32, #tpu.memory_space<vmem>>, vector<1x16xf32>,
        %parallel_loop3A_183 = arith.index_cast %parallel_loop3A_126 : i32 to index
        %parallel_loop3A_184 = arith.constant 64 : index
        %parallel_loop3A_185 = tpu.vector_load %arg10[%parallel_loop3A_183, %parallel_loop3A_184] {strides = array<i32>} : memref<40x128xf32, #tpu.memory_space<vmem>>, vector<1x16xf32>,
        %parallel_loop3A_186 = vector.shape_cast %parallel_loop3A_185 : vector<1x16xf32> to vector<16xf32>
        %parallel_loop3A_187 = arith.index_cast %parallel_loop3A_126 : i32 to index
        %parallel_loop3A_188 = arith.constant 64 : index
        %parallel_loop3A_189 = tpu.vector_load %arg12[%parallel_loop3A_187, %parallel_loop3A_188] {strides = array<i32>} : memref<40x128xf32, #tpu.memory_space<vmem>>, vector<1x16xf32>,
        %parallel_loop3A_190 = vector.shape_cast %parallel_loop3A_189 : vector<1x16xf32> to vector<16xf32>
        %parallel_loop3A_191 = arith.mulf %parallel_loop3A_186, %parallel_loop3A_190 : vector<16xf32>
        %parallel_loop3A_192 = arith.index_cast %parallel_loop3A_126 : i32 to index
        %parallel_loop3A_193 = arith.constant 64 : index
        %parallel_loop3A_194 = tpu.vector_load %arg14[%parallel_loop3A_192, %parallel_loop3A_193] {strides = array<i32>} : memref<40x128xf32, #tpu.memory_space<vmem>>, vector<1x16xf32>,
        %parallel_loop3A_195 = vector.shape_cast %parallel_loop3A_194 : vector<1x16xf32> to vector<16xf32>
        %parallel_loop3A_196 = vector.shape_cast %parallel_loop3A_191 : vector<16xf32> to vector<1x16xf32>
        tpu.vector_store %arg14[%parallel_loop3A_192, %parallel_loop3A_193], %parallel_loop3A_196 {strides = array<i32>} : memref<40x128xf32, #tpu.memory_space<vmem>>, vector<1x16xf32>,
        %parallel_loop3A_197 = arith.index_cast %parallel_loop3A_126 : i32 to index
        %parallel_loop3A_198 = arith.constant 80 : index
        %parallel_loop3A_199 = tpu.vector_load %arg10[%parallel_loop3A_197, %parallel_loop3A_198] {strides = array<i32>} : memref<40x128xf32, #tpu.memory_space<vmem>>, vector<1x16xf32>,
        %parallel_loop3A_200 = vector.shape_cast %parallel_loop3A_199 : vector<1x16xf32> to vector<16xf32>
        %parallel_loop3A_201 = arith.index_cast %parallel_loop3A_126 : i32 to index
        %parallel_loop3A_202 = arith.constant 80 : index
        %parallel_loop3A_203 = tpu.vector_load %arg12[%parallel_loop3A_201, %parallel_loop3A_202] {strides = array<i32>} : memref<40x128xf32, #tpu.memory_space<vmem>>, vector<1x16xf32>,
        %parallel_loop3A_204 = vector.shape_cast %parallel_loop3A_203 : vector<1x16xf32> to vector<16xf32>
        %parallel_loop3A_205 = arith.mulf %parallel_loop3A_200, %parallel_loop3A_204 : vector<16xf32>
        %parallel_loop3A_206 = arith.index_cast %parallel_loop3A_126 : i32 to index
        %parallel_loop3A_207 = arith.constant 80 : index
        %parallel_loop3A_208 = tpu.vector_load %arg14[%parallel_loop3A_206, %parallel_loop3A_207] {strides = array<i32>} : memref<40x128xf32, #tpu.memory_space<vmem>>, vector<1x16xf32>,
        %parallel_loop3A_209 = vector.shape_cast %parallel_loop3A_208 : vector<1x16xf32> to vector<16xf32>
        %parallel_loop3A_210 = vector.shape_cast %parallel_loop3A_205 : vector<16xf32> to vector<1x16xf32>
        tpu.vector_store %arg14[%parallel_loop3A_206, %parallel_loop3A_207], %parallel_loop3A_210 {strides = array<i32>} : memref<40x128xf32, #tpu.memory_space<vmem>>, vector<1x16xf32>,
        %parallel_loop3A_211 = arith.index_cast %parallel_loop3A_126 : i32 to index
        %parallel_loop3A_212 = arith.constant 96 : index
        %parallel_loop3A_213 = tpu.vector_load %arg10[%parallel_loop3A_211, %parallel_loop3A_212] {strides = array<i32>} : memref<40x128xf32, #tpu.memory_space<vmem>>, vector<1x16xf32>,
        %parallel_loop3A_214 = vector.shape_cast %parallel_loop3A_213 : vector<1x16xf32> to vector<16xf32>
        %parallel_loop3A_215 = arith.index_cast %parallel_loop3A_126 : i32 to index
        %parallel_loop3A_216 = arith.constant 96 : index
        %parallel_loop3A_217 = tpu.vector_load %arg12[%parallel_loop3A_215, %parallel_loop3A_216] {strides = array<i32>} : memref<40x128xf32, #tpu.memory_space<vmem>>, vector<1x16xf32>,
        %parallel_loop3A_218 = vector.shape_cast %parallel_loop3A_217 : vector<1x16xf32> to vector<16xf32>
        %parallel_loop3A_219 = arith.mulf %parallel_loop3A_214, %parallel_loop3A_218 : vector<16xf32>
        %parallel_loop3A_220 = arith.index_cast %parallel_loop3A_126 : i32 to index
        %parallel_loop3A_221 = arith.constant 96 : index
        %parallel_loop3A_222 = tpu.vector_load %arg14[%parallel_loop3A_220, %parallel_loop3A_221] {strides = array<i32>} : memref<40x128xf32, #tpu.memory_space<vmem>>, vector<1x16xf32>,
        %parallel_loop3A_223 = vector.shape_cast %parallel_loop3A_222 : vector<1x16xf32> to vector<16xf32>
        %parallel_loop3A_224 = vector.shape_cast %parallel_loop3A_219 : vector<16xf32> to vector<1x16xf32>
        tpu.vector_store %arg14[%parallel_loop3A_220, %parallel_loop3A_221], %parallel_loop3A_224 {strides = array<i32>} : memref<40x128xf32, #tpu.memory_space<vmem>>, vector<1x16xf32>,
        %parallel_loop3A_225 = arith.index_cast %parallel_loop3A_126 : i32 to index
        %parallel_loop3A_226 = arith.constant 112 : index
        %parallel_loop3A_227 = tpu.vector_load %arg10[%parallel_loop3A_225, %parallel_loop3A_226] {strides = array<i32>} : memref<40x128xf32, #tpu.memory_space<vmem>>, vector<1x16xf32>,
        %parallel_loop3A_228 = vector.shape_cast %parallel_loop3A_227 : vector<1x16xf32> to vector<16xf32>
        %parallel_loop3A_229 = arith.index_cast %parallel_loop3A_126 : i32 to index
        %parallel_loop3A_230 = arith.constant 112 : index
        %parallel_loop3A_231 = tpu.vector_load %arg12[%parallel_loop3A_229, %parallel_loop3A_230] {strides = array<i32>} : memref<40x128xf32, #tpu.memory_space<vmem>>, vector<1x16xf32>,
        %parallel_loop3A_232 = vector.shape_cast %parallel_loop3A_231 : vector<1x16xf32> to vector<16xf32>
        %parallel_loop3A_233 = arith.mulf %parallel_loop3A_228, %parallel_loop3A_232 : vector<16xf32>
        %parallel_loop3A_234 = arith.index_cast %parallel_loop3A_126 : i32 to index
        %parallel_loop3A_235 = arith.constant 112 : index
        %parallel_loop3A_236 = tpu.vector_load %arg14[%parallel_loop3A_234, %parallel_loop3A_235] {strides = array<i32>} : memref<40x128xf32, #tpu.memory_space<vmem>>, vector<1x16xf32>,
        %parallel_loop3A_237 = vector.shape_cast %parallel_loop3A_236 : vector<1x16xf32> to vector<16xf32>
        %parallel_loop3A_238 = vector.shape_cast %parallel_loop3A_233 : vector<16xf32> to vector<1x16xf32>
        tpu.vector_store %arg14[%parallel_loop3A_234, %parallel_loop3A_235], %parallel_loop3A_238 {strides = array<i32>} : memref<40x128xf32, #tpu.memory_space<vmem>>, vector<1x16xf32>,
      } {sc.loop_unroll_factor = 8 : i64, sc.parallel_access}
      %mul3A_112 = arith.constant 40 : i32
      %mul3A_113 = arith.muli %add3A_91, %mul3A_112 : i32
      %add3A_114 = arith.addi %mul3A_2, %mul3A_113 : i32
      %dma_start3A_115 = arith.constant 0 : i32
      %dma_start3A_116 = tpu.memref_slice %arg5[%add3A_114, %dma_start3A_115] : memref<320000x128xf32, #tpu.memory_space<hbm>> -> memref<40x128xf32, #tpu.memory_space<hbm>>
      %dma_start3A_117 = arith.constant 0 : i32
      %dma_start3A_118 = tpu.memref_slice %arg5[%add3A_114, %dma_start3A_117] : memref<320000x128xf32, #tpu.memory_space<hbm>> -> memref<40x128xf32, #tpu.memory_space<hbm>>
      tpu.enqueue_dma source(%arg14 : memref<40x128xf32, #tpu.memory_space<vmem>>) target(%dma_start3A_118 : memref<40x128xf32, #tpu.memory_space<hbm>>) target_semaphore(%arg20 : memref<!tpu.dma_semaphore, #tpu.memory_space<semaphore_mem>>)
      %add3A_119 = arith.constant 2 : i32
      %add3A_120 = arith.addi %add3A_91, %add3A_119 : i32
      %lt3A_121 = arith.constant 250 : i32
      %lt3A_122 = arith.cmpi slt, %add3A_120, %lt3A_121 : i32
      %convert_element_type3A_123 = arith.extui %lt3A_122 : i1 to i32
      %cond3A_124 = arith.constant 0 : i32
      %cond3A_125 = arith.cmpi ne, %convert_element_type3A_123, %cond3A_124 : i32
      scf.if %cond3A_125 {
        %add3A_126 = arith.constant 2 : i32
        %add3A_127 = arith.addi %add3A_91, %add3A_126 : i32
        %mul3A_128 = arith.constant 40 : i32
        %mul3A_129 = arith.muli %add3A_127, %mul3A_128 : i32
        %dma_start3A_130 = tpu.memref_slice %arg7[%mul3A_129] : memref<10000xi32, #tpu.memory_space<vmem>> -> memref<40xi32, #tpu.memory_space<vmem>>
        %dma_start3A_131 = arith.constant 0 : i32
        %dma_start3A_132 = arith.constant 0 : i32
        %dma_start3A_133 = tpu.memref_slice %arg6[%dma_start3A_131, %dma_start3A_132] : memref<10000x128xf32, #tpu.memory_space<vmem_shared>> -> memref<10000x128xf32, #tpu.memory_space<vmem_shared>>
        tpu.enqueue_indirect_dma source(%dma_start3A_133 : memref<10000x128xf32, #tpu.memory_space<vmem_shared>>) target(%arg10 : memref<40x128xf32, #tpu.memory_space<vmem>>) offsets(%dma_start3A_130 : memref<40xi32, #tpu.memory_space<vmem>>) semaphore(%arg16 : memref<!tpu.dma_semaphore, #tpu.memory_space<semaphore_mem>>)
        %dma_start3A_134 = tpu.memref_slice %arg8[%mul3A_129] : memref<10000xi32, #tpu.memory_space<vmem>> -> memref<40xi32, #tpu.memory_space<vmem>>
        %dma_start3A_135 = arith.constant 0 : i32
        %dma_start3A_136 = arith.constant 0 : i32
        %dma_start3A_137 = tpu.memref_slice %arg6[%dma_start3A_135, %dma_start3A_136] : memref<10000x128xf32, #tpu.memory_space<vmem_shared>> -> memref<10000x128xf32, #tpu.memory_space<vmem_shared>>
        tpu.enqueue_indirect_dma source(%dma_start3A_137 : memref<10000x128xf32, #tpu.memory_space<vmem_shared>>) target(%arg12 : memref<40x128xf32, #tpu.memory_space<vmem>>) offsets(%dma_start3A_134 : memref<40xi32, #tpu.memory_space<vmem>>) semaphore(%arg18 : memref<!tpu.dma_semaphore, #tpu.memory_space<semaphore_mem>>)
      } else {
      }
    }
    %scan3A_39 = arith.constant 125 : i32
    %dma_wait3A_40 = arith.constant 0 : i32
    %dma_wait3A_41 = arith.constant 0 : i32
    %dma_wait3A_42 = tpu.memref_slice %arg5[%dma_wait3A_40, %dma_wait3A_41] : memref<320000x128xf32, #tpu.memory_space<hbm>> -> memref<40x128xf32, #tpu.memory_space<hbm>>
    %dma_wait3A_43 = arith.constant 0 : i32
    %dma_wait3A_44 = arith.constant 0 : i32
    %dma_wait3A_45 = tpu.memref_slice %arg5[%dma_wait3A_43, %dma_wait3A_44] : memref<320000x128xf32, #tpu.memory_space<hbm>> -> memref<40x128xf32, #tpu.memory_space<hbm>>
    tpu.wait_dma2 semaphore(%arg19 : memref<!tpu.dma_semaphore, #tpu.memory_space<semaphore_mem>>) src(%arg13 : memref<40x128xf32, #tpu.memory_space<vmem>>) dst(%dma_wait3A_45 : memref<40x128xf32, #tpu.memory_space<hbm>>)
    %dma_wait3A_46 = arith.constant 0 : i32
    %dma_wait3A_47 = arith.constant 0 : i32
    %dma_wait3A_48 = tpu.memref_slice %arg5[%dma_wait3A_46, %dma_wait3A_47] : memref<320000x128xf32, #tpu.memory_space<hbm>> -> memref<40x128xf32, #tpu.memory_space<hbm>>
    %dma_wait3A_49 = arith.constant 0 : i32
    %dma_wait3A_50 = arith.constant 0 : i32
    %dma_wait3A_51 = tpu.memref_slice %arg5[%dma_wait3A_49, %dma_wait3A_50] : memref<320000x128xf32, #tpu.memory_space<hbm>> -> memref<40x128xf32, #tpu.memory_space<hbm>>
    tpu.wait_dma2 semaphore(%arg20 : memref<!tpu.dma_semaphore, #tpu.memory_space<semaphore_mem>>) src(%arg14 : memref<40x128xf32, #tpu.memory_space<vmem>>) dst(%dma_wait3A_51 : memref<40x128xf32, #tpu.memory_space<hbm>>)
    return
  }
}

</mosaic_0001>

<sc_bundles>
// kernel: _gather_mul.3.cloned.1.call-start
scs
__scs_entry_jumppad:
0x0: {  	(pc) =	sbr.rel $0x88, $3  }
0x1: {  	(tag) =	ssettag $0x0;
	lr =	simm.s32 $0x1  }
0x2: {  	[smem:$0x3F9E] =	sst lr;
	_ =	strace $0xD0000000  }
0x3: {  	_ = 	snop  }
0x4: {  	_ = 	snop  }
0x5: {  	_ = 	snop  }
0x6: {  	_ = 	snop  }
0x7: {  	_ = 	snop  }
__scs_overlays_trampoline_lowered:
0x8: {  	[smem:$0x3FAD] =	sst s0  }
0x9: {  	[smem:$0x3FAE] =	sst s1  }
0xa: {  	[smem:$0x3FAF] =	sst s2  }
0xb: {  	[smem:$0x3FB0] =	sst s3  }
0xc: {  	[smem:$0x3FB1] =	sst s4  }
0xd: {  	[smem:$0x3FB2] =	sst s5  }
0xe: {  	[smem:$0x3FB3] =	sst s6  }
0xf: {  	[smem:$0x3FB4] =	sst s7  }
0x10: {  	[smem:$0x3FB5] =	sst s8  }
0x11: {  	[smem:$0x3FB6] =	sst s9;
	s0 =	simm.s32 @!p0 $0x0  }
0x12: {  	s1 =	sld [smem:$0x3F9C];
	s0 =	simm.s32 @p0 $0x1  }
0x13: {  	[smem:$0x3FB7] =	sst s0;
	s0 =	simm.s32 @!p1 $0x0  }
0x14: {  	s2 =	sld [smem:$0x3F9B];
	s0 =	simm.s32 @p1 $0x1  }
0x15: {  	[smem:$0x3FB8] =	sst s0;
	s0 =	simm.s32 @!p2 $0x0  }
0x16: {  	s3 =	sld [smem:$0x3FDB];
	s0 =	simm.s32 @p2 $0x1  }
0x17: {  	s4 =	simm.s32 $0x1BF5;
	[smem:$0x3FBA] =	sst s0  }
0x18: {  	s0 =	sld [smem:$0x3F9D];
	_ =	swait.ge [sflag:s4], $0x0  }
0x19: {  	s7 =	sld [smem:$0x3F9E]  }
0x1a: {  	s8 =	sadd.s32 $0xFFFFE003, lr  }
0x1b: {  	s9 =	sadd.s32 $0xFFFFFEF7, lr;
	s5 =	simm.s32 $0xFFFFFFFF;
	p2 =	slt.u32 s8, $0xFFFFF086  }
0x1c: {  	p1 =	slt.u32 s9, $0xF7A;
	s5 =	simm.s32 @!p2 $0x0  }
0x1d: {  	s5 =	simm.s32 @p1 $0x1;
	p0 =	seq.s32 s7, s2  }
0x1e: {  	s7 =	smul.u32 @!p0 $0xF7A, s2;
	p2 =	seq.s32 @!p0 s5, $0x0  }
0x1f: {  	s9 =	smul.u32 $0xF7A, s1;
	s8 =	simm.s32 @!p0 $0x1BF5;
	p2 =	por !p2, p0  }
0x20: {  	[sflag:s8] =	ssyncset.s32 @!p0 $0xFFFFF086;
	s6 =	sadd.s32 @!p0 s3, s7;
	s7 =	simm.s32 @!p0 $0x108  }
0x21: {  	s3 =	sadd.s32 s3, s9;
	s6 =	sadd.s32 @!p0 $0x88, s6;
	s7 =	simm.s32 @p2 $0x1082  }
0x22: {  	[simem:s7], [sflag:s8] =	dma.local @!p0 [hbm:s6], $0xF7A  }
0x23: {  	s9 =	sor.u32 $0xD0000000, s2;
	s6 =	simm.s32 $0x108;
	_ =	swait.ge @!p0 [sflag:s8], $0x0  }
0x24: {  	s3 =	sadd.s32 $0x88, s3;
	s6 =	simm.s32 @!p1 $0x1082;
	[sflag:s4] =	ssyncset.s32 $0xFFFFF086  }
0x25: {  	[simem:s6], [sflag:s4] =	dma.local [hbm:s3], $0xF7A  }
0x26: {  	[smem:$0x3F9E] =	sst s1;
	(tag) =	ssettag s2;
	_ =	strace s9  }
0x27: {  	s1 =	sld [smem:$0x3FAE]  }
0x28: {  	s2 =	sld [smem:$0x3FAF]  }
0x29: {  	s4 =	sld [smem:$0x3FB1]  }
0x2a: {  	p0 =	seq.s32 s5, $0x0;
	s5 =	sld [smem:$0x3FB2]  }
0x2b: {  	s6 =	sld [smem:$0x3FB3]  }
0x2c: {  	s7 =	sld [smem:$0x3FB4]  }
0x2d: {  	s3 =	simm.s32 $0x108;
	s8 =	sld [smem:$0x3FB5]  }
0x2e: {  	s3 =	simm.s32 @!p0 $0x1082;
	s9 =	sld [smem:$0x3FB6]  }
0x2f: {  	lr =	sadd.s32 s0, s3;
	s0 =	sld [smem:$0x3FAD]  }
0x30: {  	s3 =	sld [smem:$0x3FB0]  }
0x31: {  	[smem:$0x3FB9] =	sst s10  }
0x32: {  	s10 =	sld [smem:$0x3FB7];
	_ =	sdelay $0x3  }
0x33: {  	p0 =	seq.s32 s10, $0x1;
	s10 =	sld [smem:$0x3FB9];
	_ =	sdelay $0x3  }
0x34: {  	[smem:$0x3FB9] =	sst s10  }
0x35: {  	s10 =	sld [smem:$0x3FB8];
	_ =	sdelay $0x3  }
0x36: {  	p1 =	seq.s32 s10, $0x1;
	s10 =	sld [smem:$0x3FB9];
	_ =	sdelay $0x3  }
0x37: {  	[smem:$0x3FB9] =	sst s10  }
0x38: {  	s10 =	sld [smem:$0x3FBA]  }
0x39: {  	_ = 	snop;
	(pc) =	sbr.ind lr, $3  }
0x3a: {  	_ = 	snop  }
0x3b: {  	_ = 	snop  }
0x3c: {  	p2 =	seq.s32 s10, $0x1;
	s10 =	sld [smem:$0x3FB9]  }
0x3d: {  	_ =	shalt  }
0x3e: {  	_ =	shalt  }
0x3f: {  	_ =	shalt  }
0x40: {  	_ =	shalt  }
0x41: {  	_ =	shalt  }
0x42: {  	_ =	shalt  }
0x43: {  	_ =	shalt  }
0x44: {  	_ =	shalt  }
0x45: {  	_ =	shalt  }
0x46: {  	_ =	shalt  }
0x47: {  	_ =	shalt  }
0x48: {  	_ =	shalt  }
0x49: {  	_ =	shalt  }
0x4a: {  	_ =	shalt  }
0x4b: {  	_ =	shalt  }
0x4c: {  	_ =	shalt  }
0x4d: {  	_ =	shalt  }
0x4e: {  	_ =	shalt  }
0x4f: {  	_ =	shalt  }
0x50: {  	_ =	shalt  }
0x51: {  	_ =	shalt  }
0x52: {  	_ =	shalt  }
0x53: {  	_ =	shalt  }
0x54: {  	_ =	shalt  }
0x55: {  	_ =	shalt  }
0x56: {  	_ =	shalt  }
0x57: {  	_ =	shalt  }
0x58: {  	_ =	shalt  }
0x59: {  	_ =	shalt  }
0x5a: {  	_ =	shalt  }
0x5b: {  	_ =	shalt  }
0x5c: {  	_ =	shalt  }
0x5d: {  	_ =	shalt  }
0x5e: {  	_ =	shalt  }
0x5f: {  	_ =	shalt  }
0x60: {  	_ =	shalt  }
0x61: {  	_ =	shalt  }
0x62: {  	_ =	shalt  }
0x63: {  	_ =	shalt  }
0x64: {  	_ =	shalt  }
0x65: {  	_ =	shalt  }
0x66: {  	_ =	shalt  }
0x67: {  	_ =	shalt  }
0x68: {  	_ =	shalt  }
0x69: {  	_ =	shalt  }
0x6a: {  	_ =	shalt  }
0x6b: {  	_ =	shalt  }
0x6c: {  	_ =	shalt  }
0x6d: {  	_ =	shalt  }
0x6e: {  	_ =	shalt  }
0x6f: {  	_ =	shalt  }
0x70: {  	_ =	shalt  }
0x71: {  	_ =	shalt  }
0x72: {  	_ =	shalt  }
0x73: {  	_ =	shalt  }
0x74: {  	_ =	shalt  }
0x75: {  	_ =	shalt  }
0x76: {  	_ =	shalt  }
0x77: {  	_ =	shalt  }
0x78: {  	_ =	shalt  }
0x79: {  	_ =	shalt  }
0x7a: {  	_ =	shalt  }
0x7b: {  	_ =	shalt  }
0x7c: {  	_ =	shalt  }
0x7d: {  	_ =	shalt  }
0x7e: {  	_ =	shalt  }
0x7f: {  	_ =	shalt  }
0x80: {  	_ =	shalt  }
0x81: {  	_ =	shalt  }
0x82: {  	_ =	shalt  }
0x83: {  	_ =	shalt  }
0x84: {  	_ =	shalt  }
0x85: {  	_ =	shalt  }
0x86: {  	_ =	shalt  }
0x87: {  	_ =	shalt  }
.Lfunc_end0:
.L_simem_size_0:
called_computation_lowered:
.L_overlay_start_0:
0x88: {  	s2 =	sld [smem:$0x3FD9]  }
0x89: {  	s3 =	sld [smem:$0x3FFE];
	_ =	sdelay $0x1  }
0x8a: {  	s1 =	srdreg.scid  }
0x8b: {  	s0 =	sand.u32 $0x1, s1  }
0x8c: {  	s18 =	sshll.u32 s0, $0xA;
	s2 =	sadd.s32 s3, s2  }
0x8d: {  	s2 =	sadd.s32 s2, s18  }
0x8e: {  	[smem:$0x3FC5] =	sst s2  }
0x8f: {  	_ = 	snop  }
0x90: {  	s2 =	sld [smem:$0x3FC9]  }
0x91: {  	s19 =	sld [smem:$0x3FC8]  }
0x92: {  	s4 =	sld [smem:$0x3FC7]  }
0x93: {  	s5 =	sld [smem:$0x3FD0];
	(tm) =	ssettm $0x1  }
0x94: {  	s6 =	sld [smem:$0x3FFB];
	_ =	sdelay $0x3  }
0x95: {  	_ =	strace s6  }
0x96: {  	s6 =	sld [smem:$0x3FFC];
	_ =	sdelay $0x3  }
0x97: {  	_ =	strace s6  }
0x98: {  	s6 =	sld [smem:$0x3FFD];
	_ =	sdelay $0x3  }
0x99: {  	_ =	strace s6  }
0x9a: {  	_ =	strace $0x8FFFFFFF  }
0x9b: {  	s20 =	sld [smem:$0x3FDB];
	_ =	sdelay $0x1  }
0x9c: {  	s7 =	simm.s32 $_scs_section_size  }
0x9d: {  	s8 =	simm.s32 $_size__tile_overlayer_lowered;
	s9 =	simm.s32 $_tile_overlayer_lowered  }
0x9e: {  	s23 =	simm.s32 $0x1BFF;
	s22 =	sshll.u32 s9, $0x1;
	s6 =	sadd.s32 s7, s20  }
0x9f: {  	s10 =	simm.s32 $0x0;
	s21 =	sshll.u32 s8, $0x1;
	s8 =	sadd.s32 s22, s6  }
0xa0: {  	[timem:s10], [sflag:s23] =	dma.local [hbm:s8], s21  }
0xa1: {  	_ =	swait.ge [sflag:s23], s21  }
0xa2: {  	s7 =	ssub.s32 $0x0, s21;
	[sflag:s23] =	ssyncset.done $0x0  }
0xa3: {  	[sflag:s23] =	ssyncadd.s32 s7;
	_ =	sdelay $0x1  }
0xa4: {  	s24 =	simm.s32 $0x1B8B  }
0xa5: {  	_ =	swait.ge [sflag:s24], $0x1  }
0xa6: {  	[sflag:s24] =	ssyncset.done $0x0  }
0xa7: {  	s25 =	simm.s32 $0x1B8E;
	[sflag:s24] =	ssyncadd.s32 $0xFFFFFFFF  }
0xa8: {  	s26 =	simm.s32 $execute0_lowered;
	[smem:$0x3FD2] =	sst s25  }
0xa9: {  	s7 =	sshll.u32 s26, $0x1;
	_ =	strace $0x80000046;
	[dreg:$0x1] =	wrdreg $0xFFFFFFFF  }
0xaa: {  	s28 =	simm.s32 $_size_execute0_lowered;
	s6 =	sadd.s32 s6, s7;
	[dreg:$0x0] =	wrdreg $0x0  }
0xab: {  	s7 =	sshll.u32 s28, $0x1;
	[dreg:$0x2] =	wrdreg s6  }
0xac: {  	[dreg:$0x3] =	wrdreg s7  }
0xad: {  	[dreg:$0x4] =	wrdreg $0xC0  }
0xae: {  	_ =	task [dreg:s10], $0x5FFFF  }
0xaf: {  	[dreg:$0x1] =	wrdreg $0xFFFFFFFF  }
0xb0: {  	[dreg:$0x0] =	wrdreg $0x60  }
0xb1: {  	[dreg:$0x2] =	wrdreg s2  }
0xb2: {  	[dreg:$0x3] =	wrdreg s19  }
0xb3: {  	[dreg:$0x4] =	wrdreg s4  }
0xb4: {  	[dreg:$0x5] =	wrdreg s5  }
0xb5: {  	[dreg:$0x6] =	wrdreg $0x0  }
0xb6: {  	[dreg:$0x7] =	wrdreg $0x9  }
0xb7: {  	_ =	task.clear_ibuf [dreg:s10], $0x8FFFF;
	_ =	strace $0x90000046  }
0xb8: {  	s29 =	simm.s32 $0x9;
	_ =	strace $0x80000048  }
0xb9: {  	_ =	swait.ge [sflag:s29], $0x1  }
0xba: {  	[sflag:s29] =	ssyncadd.s32 $0xFFFFFFFF  }
0xbb: {  	_ =	strace $0x90000048  }
0xbc: {  	_ =	sfence  }
0xbd: {  	s30 =	sld [smem:$0x0];
	_ =	sdelay $0x2  }
0xbe: {  	s31 =	sshll.u32 s1, $0xD;
	s1 =	sshrl.u32 s1, $0x2  }
0xbf: {  	s3 =	sand.u32 $0x4000, s31;
	s1 =	sadd.s32 s1, s30  }
0xc0: {  	s0 =	sor.u32 s3, s0;
	s1 =	sshll.u32 s1, $0x11  }
0xc1: {  	s0 =	sor.u32 s1, s0  }
0xc2: {  	s0 =	sadd.s32 $0x8F2B, s0  }
0xc3: {  	[sflag:s0] =	ssyncadd.remote.s32 $0x1  }
0xc4: {  	_ =	sfence.sel $0xFFFF  }
0xc5: {  	[dreg:$0x0] =	wrdreg $0xFFFFFFFF;
	(pc) =	sbr.abs _section_cstart, $3  }
0xc6: {  	[dreg:$0x1] =	wrdreg $0xFFFFFFFF  }
0xc7: {  	_ =	task.clear_ibuf [dreg:s10], $0x2FFFF;
	_ =	strace $0x9FFFFFFF  }
0xc8: {  	(tm) =	ssettm $0x7FFFFFFF  }
0xc9: {  	_ =	shalt  }
tec
execute0_lowered:
.L_overlay_start_1:
0x0: {  	(tag) =	ssettag $0x1  }
0x1: {  	s0 =	rddreg [dreg:$0x0]  }
0x2: {  	s5 =	rddreg [dreg:$0x1]  }
0x3: {  	s9 =	rddreg [dreg:$0x2]  }
0x4: {  	s1 =	rddreg [dreg:$0x3]  }
0x5: {  	s2 =	rddreg [dreg:$0x4];
	s3 =	simm.s32 $0x0;
	s4 =	srdreg.scid  }
0x6: {  	s12 =	stileid.u32;
	s16 =	simm.s32 $0x7;
	s18 =	simm.s32 $0x28  }
0x7: {  	s28 =	simm.s32 $0x2;
	s29 =	simm.s32 $0x4;
	s30 =	simm.s32 $0x1EB80  }
0x8: {  	s31 =	simm.s32 $0x5;
	s19 =	simm.s32 $0x0;
	[smem:$0x7FF] =	sst s3  }
0x9: {  	s4 =	sand.u32 $0x1, s4;
	s7 =	sshll.u32 s12, $0x1;
	s8 =	smul.u32 $0x4E000, s12  }
0xa: {  	s22 =	smul.u32 $0x2700, s12;
	s25 =	sshll.u32 s12, $0x6;
	s14 =	sadd.s32 $0x138000, s2  }
0xb: {  	p0 =	sne.s32 s12, $0x0;
	_ =	strace $0x80000047;
	s6 =	ssub.s32 $0x2, s4  }
0xc: {  	s4 =	sor.u32 s4, s7;
	s7 =	sadd.s32 $0x27000, s0;
	s14 =	sshrl.u32 @!p0 s14, $0x3  }
0xd: {  	s10 =	sshrl.u32 s6, $0x1;
	s4 =	smul.u32 $0x2710, s4;
	s23 =	sshrl.u32 s8, $0x2  }
0xe: {  	s24 =	sadd.s32 s0, s22;
	s22 =	simm.s32 $0x19B80;
	s0 =	simm.s32 $0x6  }
.Ltmp0:
0xf: {  	s11 =	ssub.s32 s6, s10;
	s13 =	sadd.s32 s23, s2;
	(pc) =	sbr.rel .LBB2_1-.Ltmp0, $4  }
0x10: {  	[dreg:$0x6] =	wrdreg s24;
	s6 =	sor.u32 $0x1C01, s25;
	s24 =	simm.s32 $0x1C380  }
0x11: {  	s25 =	simm.s32 $0x3;
	s26 =	sshrl.u32 s4, $0x3;
	s10 =	sadd.s32 $0x28, s4  }
0x12: {  	s11 =	smax.u32 s11, $0x1;
	s12 =	sshrl.u32 s13, $0x3;
	s13 =	simm.s32 $0x1  }
0x13: {  	s8 =	sadd.s32 s5, s26;
	s9 =	sadd.s32 s9, s26;
	s26 =	simm.s32 $0x1D780  }
.LBB2_8:
0x14: {  	s19 =	sadd.s32 $0x1, s19  }
0x15: {  	_ =	swait.ge [sflag:s31], $0x1400;
	p1 =	sne.s32 s19, s11  }
.Ltmp1:
0x16: {  	[sflag:s31] =	ssyncset.done $0x0;
	(pc) =	sbr.rel @!p1 .LBB2_9-.Ltmp1, $4  }
0x17: {  	[sflag:s31] =	ssyncadd.s32 $0xFFFFEC00  }
0x18: {  	_ =	swait.ge [sflag:s0], $0x1400  }
0x19: {  	[sflag:s0] =	ssyncset.done $0x0  }
0x1a: {  	[sflag:s0] =	ssyncadd.s32 $0xFFFFEC00  }
.LBB2_1:
0x1b: {  	s5 =	rddreg [dreg:$0x6]  }
0x1c: {  	[spmem:s12], [sflag:s6] =	dma.local [hbm:s5], $0x2700  }
0x1d: {  	_ =	swait.ge [sflag:s13], $0x2700  }
0x1e: {  	[sflag:s13] =	ssyncset.done $0x0  }
0x1f: {  	s5 =	simm.s32 @!p0 $0x1;
	[sflag:s13] =	ssyncadd.s32 $0xFFFFD900  }
0x20: {  	[spmem:s14], [sflag:s6] =	dma.local @!p0 [hbm:s7], $0x100  }
0x21: {  	_ =	swait.ge @!p0 [sflag:s5], $0x100  }
0x22: {  	[sflag:s5] =	ssyncset.done @!p0 $0x0  }
0x23: {  	s23 =	simm.s32 $0x13880;
	[sflag:s5] =	ssyncadd.s32 @!p0 $0xFFFFFF00  }
0x24: {  	[tilespmem:s23], [sflag:$0x7] =	stream.linear.gather [hbm4b:s8+s3], $0x2710, $0x38;
	[tilespmem:$0x1FF80] =	vst v63  }
0x25: {  	_ =	swait.ge [sflag:s16], $0x2710  }
0x26: {  	[sflag:s16] =	ssyncset.done $0x0  }
0x27: {  	s15 =	simm.s32 $0x16000;
	[sflag:s16] =	ssyncadd.s32 $0xFFFFD8F0  }
0x28: {  	[tilespmem:s15], [sflag:$0x7] =	stream.linear.gather [hbm4b:s9+s3], $0x2710, $0x38;
	[tilespmem:$0x1FF80] =	vst v63  }
0x29: {  	_ =	swait.ge [sflag:s16], $0x2710  }
0x2a: {  	[sflag:s16] =	ssyncset.done $0x0  }
0x2b: {  	[sflag:s16] =	ssyncadd.s32 $0xFFFFD8F0  }
0x2c: {  	s17 =	simm.s32 $0x18780;
	[bflag:$0x0] =	sbarrier.arrive $0xFFFF  }
0x2d: {  	[tilespmem:s17], [sflag:$0x1] =	stream.indirect.gather [spmem:s2], $0x80, s23, s18, $0xb8;
	[tilespmem:$0x1FF80] =	vst v63  }
0x2e: {  	s20 =	simm.s32 $0x1AF80  }
0x2f: {  	[tilespmem:s20], [sflag:$0x3] =	stream.indirect.gather [spmem:s2], $0x80, s15, s18, $0xb8;
	[tilespmem:$0x1FF80] =	vst v63  }
0x30: {  	s21 =	simm.s32 $0x138A8  }
0x31: {  	[tilespmem:s22], [sflag:$0x2] =	stream.indirect.gather [spmem:s2], $0x80, s21, s18, $0xb8;
	[tilespmem:$0x1FF80] =	vst v63  }
0x32: {  	s23 =	simm.s32 $0x16028;
	s20 =	simm.s32 $0x0  }
0x33: {  	[tilespmem:s24], [sflag:$0x4] =	stream.indirect.gather [spmem:s2], $0x80, s23, s18, $0xb8;
	[tilespmem:$0x1FF80] =	vst v63  }
.LBB2_2:
0x34: {  	_ =	swait.ge [sflag:s13], $0x1400  }
0x35: {  	[sflag:s13] =	ssyncset.done $0x0  }
0x36: {  	[sflag:s13] =	ssyncadd.s32 $0xFFFFEC00  }
0x37: {  	_ =	swait.ge [sflag:s25], $0x1400  }
0x38: {  	p1 =	seq.s32 s20, $0x0;
	[sflag:s25] =	ssyncset.done $0x0  }
0x39: {  	s5 =	simm.s32 @!p1 $0x5;
	[sflag:s25] =	ssyncadd.s32 $0xFFFFEC00  }
0x3a: {  	_ =	swait.ge @!p1 [sflag:s5], $0x1400  }
0x3b: {  	[sflag:s5] =	ssyncset.done @!p1 $0x0  }
0x3c: {  	s17 =	simm.s32 $0x18980;
	[sflag:s5] =	ssyncadd.s32 @!p1 $0xFFFFEC00  }
0x3d: {  	s21 =	simm.s32 $0x1B180;
	v0 =	vld [tilespmem:s17+$0x180]  }
0x3e: {  	v1 =	vld [tilespmem:s21+$0x180]  }
0x3f: {  	v2 =	vld [tilespmem:s21+$0xFFFFFE00]  }
0x40: {  	v3 =	vld [tilespmem:s17+$0xFFFFFE80]  }
0x41: {  	v4 =	vld [tilespmem:s21+$0xFFFFFE80]  }
0x42: {  	v5 =	vld [tilespmem:s17+$0xFFFFFF00]  }
0x43: {  	v6 =	vld [tilespmem:s21+$0xFFFFFF00]  }
0x44: {  	v7 =	vld [tilespmem:s21+$0xFFFFFF80]  }
0x45: {  	v9 =	vld [tilespmem:s17+$0x0]  }
0x46: {  	v10 =	vld [tilespmem:s21+$0x0]  }
0x47: {  	v11 =	vld [tilespmem:s17+$0x80]  }
0x48: {  	v12 =	vld [tilespmem:s21+$0x80];
	v0 =	vmul.f32 v1, v0  }
0x49: {  	s23 =	simm.s32 $0x1D980;
	v1 =	vld [tilespmem:s17+$0xFFFFFF80]  }
0x4a: {  	v3 =	vmul.f32 v4, v3;
	v4 =	vld [tilespmem:s17+$0xFFFFFE00];
	[tilespmem:s23+$0x180] =	vst v0  }
0x4b: {  	v0 =	vld [tilespmem:s17+$0x190]  }
0x4c: {  	v8 =	vld [tilespmem:s21+$0x190]  }
0x4d: {  	v13 =	vld [tilespmem:s17+$0x100];
	[tilespmem:s23+$0xFFFFFE80] =	vst v3;
	v3 =	vmul.f32 v6, v5  }
0x4e: {  	v6 =	vld [tilespmem:s17+$0xFFFFFE90]  }
0x4f: {  	[tilespmem:s23+$0xFFFFFF00] =	vst v3;
	v3 =	vld [tilespmem:s21+$0xFFFFFE90];
	v1 =	vmul.f32 v7, v1  }
0x50: {  	v2 =	vmul.f32 v2, v4;
	v4 =	vld [tilespmem:s17+$0xFFFFFF10]  }
0x51: {  	[tilespmem:s23+$0xFFFFFF80] =	vst v1;
	v1 =	vld [tilespmem:s21+$0xFFFFFF10];
	v0 =	vmul.f32 v8, v0  }
0x52: {  	[tilespmem:s23+$0xFFFFFE00] =	vst v2;
	v2 =	vld [tilespmem:s17+$0xFFFFFF90]  }
0x53: {  	v32 =	vld [tilespmem:s21+$0xFFFFFF90];
	[tilespmem:s23+$0x190] =	vst v0  }
0x54: {  	v0 =	vld [tilespmem:s17+$0x1A0]  }
0x55: {  	v3 =	vmul.f32 v3, v6;
	v5 =	vld [tilespmem:s21+$0x1A0]  }
0x56: {  	v8 =	vld [tilespmem:s21+$0x100]  }
0x57: {  	v7 =	vld [tilespmem:s21+$0xFFFFFE10];
	[tilespmem:s23+$0xFFFFFE90] =	vst v3;
	v1 =	vmul.f32 v1, v4  }
0x58: {  	v4 =	vld [tilespmem:s17+$0xFFFFFEA0]  }
0x59: {  	[tilespmem:s23+$0xFFFFFF10] =	vst v1;
	v1 =	vmul.f32 v32, v2;
	v2 =	vld [tilespmem:s21+$0xFFFFFEA0]  }
0x5a: {  	v0 =	vmul.f32 v5, v0;
	v5 =	vld [tilespmem:s17+$0xFFFFFE10]  }
0x5b: {  	v36 =	vld [tilespmem:s17+$0xFFFFFF20];
	[tilespmem:s23+$0xFFFFFF90] =	vst v1  }
0x5c: {  	v1 =	vld [tilespmem:s21+$0xFFFFFF20];
	[tilespmem:s23+$0x1A0] =	vst v0;
	v0 =	vmul.f32 v10, v9  }
0x5d: {  	v37 =	vld [tilespmem:s17+$0xFFFFFFA0]  }
0x5e: {  	v30 =	vld [tilespmem:s17+$0x1B0];
	[tilespmem:s23+$0x0] =	vst v0;
	v0 =	vmul.f32 v12, v11  }
0x5f: {  	v31 =	vld [tilespmem:s21+$0x1B0];
	v5 =	vmul.f32 v7, v5  }
0x60: {  	v33 =	vld [tilespmem:s17+$0x10];
	[tilespmem:s23+$0x80] =	vst v0;
	v0 =	vmul.f32 v8, v13  }
0x61: {  	v34 =	vld [tilespmem:s17+$0x90];
	[tilespmem:s23+$0xFFFFFE10] =	vst v5  }
0x62: {  	[tilespmem:s23+$0x100] =	vst v0;
	v0 =	vld [tilespmem:s21+$0x90]  }
0x63: {  	v6 =	vld [tilespmem:s17+$0xFFFFFE20]  }
0x64: {  	v9 =	vmul.f32 v31, v30;
	v3 =	vld [tilespmem:s21+$0xFFFFFE20]  }
0x65: {  	v35 =	vld [tilespmem:s17+$0x110]  }
0x66: {  	v7 =	vld [tilespmem:s21+$0x110];
	[tilespmem:s23+$0x1B0] =	vst v9  }
0x67: {  	v2 =	vmul.f32 v2, v4;
	v9 =	vld [tilespmem:s17+$0x1C0]  }
0x68: {  	v1 =	vmul.f32 v1, v36;
	v5 =	vld [tilespmem:s21+$0x1C0]  }
0x69: {  	[tilespmem:s23+$0xFFFFFEA0] =	vst v2;
	v8 =	vld [tilespmem:s21+$0x10];
	v0 =	vmul.f32 v0, v34  }
0x6a: {  	v42 =	vld [tilespmem:s17+$0xFFFFFEB0];
	[tilespmem:s23+$0xFFFFFF20] =	vst v1;
	v3 =	vmul.f32 v3, v6  }
0x6b: {  	v43 =	vld [tilespmem:s17+$0xFFFFFF30];
	[tilespmem:s23+$0x90] =	vst v0  }
0x6c: {  	v0 =	vmul.f32 v7, v35;
	[tilespmem:s23+$0xFFFFFE20] =	vst v3;
	v40 =	vld [tilespmem:s17+$0xA0]  }
0x6d: {  	v5 =	vmul.f32 v5, v9;
	v4 =	vld [tilespmem:s17+$0xFFFFFE30]  }
0x6e: {  	[tilespmem:s23+$0x110] =	vst v0;
	v0 =	vld [tilespmem:s21+$0xA0]  }
0x6f: {  	[tilespmem:s23+$0x1C0] =	vst v5;
	v41 =	vld [tilespmem:s17+$0x120]  }
0x70: {  	v5 =	vmul.f32 v8, v33;
	v8 =	vld [tilespmem:s17+$0x1D0]  }
0x71: {  	v38 =	vld [tilespmem:s21+$0x1D0]  }
0x72: {  	[tilespmem:s23+$0x10] =	vst v5;
	v5 =	vld [tilespmem:s21+$0xFFFFFFA0]  }
0x73: {  	v6 =	vld [tilespmem:s21+$0x120]  }
0x74: {  	v2 =	vld [tilespmem:s21+$0xFFFFFE30]  }
0x75: {  	v39 =	vld [tilespmem:s17+$0x20];
	v0 =	vmul.f32 v0, v40  }
0x76: {  	v7 =	vld [tilespmem:s21+$0x20];
	v8 =	vmul.f32 v38, v8  }
0x77: {  	[tilespmem:s23+$0xA0] =	vst v0;
	v1 =	vmul.f32 v5, v37;
	v5 =	vld [tilespmem:s21+$0xFFFFFEB0]  }
0x78: {  	v0 =	vmul.f32 v6, v41;
	v46 =	vld [tilespmem:s17+$0xB0];
	[tilespmem:s23+$0x1D0] =	vst v8  }
0x79: {  	v8 =	vld [tilespmem:s17+$0x1E0]  }
0x7a: {  	[tilespmem:s23+$0x120] =	vst v0;
	v3 =	vld [tilespmem:s21+$0x1E0]  }
0x7b: {  	v0 =	vmul.f32 v2, v4;
	[tilespmem:s23+$0xFFFFFFA0] =	vst v1;
	v1 =	vld [tilespmem:s21+$0xFFFFFF30]  }
0x7c: {  	v2 =	vld [tilespmem:s21+$0xB0]  }
0x7d: {  	v4 =	vld [tilespmem:s17+$0x130];
	[tilespmem:s23+$0xFFFFFE30] =	vst v0  }
0x7e: {  	v47 =	vld [tilespmem:s17+$0xFFFFFE40];
	v0 =	vmul.f32 v5, v42  }
0x7f: {  	v5 =	vld [tilespmem:s21+$0x130]  }
0x80: {  	v3 =	vmul.f32 v3, v8;
	[tilespmem:s23+$0xFFFFFEB0] =	vst v0;
	v0 =	vmul.f32 v1, v43;
	v1 =	vld [tilespmem:s21+$0xFFFFFE40]  }
0x81: {  	v8 =	vld [tilespmem:s17+$0xFFFFFFB0]  }
0x82: {  	v48 =	vld [tilespmem:s17+$0xFFFFFEC0];
	[tilespmem:s23+$0x1E0] =	vst v3;
	v3 =	vmul.f32 v7, v39  }
0x83: {  	v7 =	vld [tilespmem:s17+$0x1F0]  }
0x84: {  	[tilespmem:s23+$0x20] =	vst v3;
	v3 =	vld [tilespmem:s21+$0xFFFFFFB0]  }
0x85: {  	v45 =	vld [tilespmem:s17+$0x30];
	v1 =	vmul.f32 v1, v47  }
0x86: {  	v6 =	vld [tilespmem:s21+$0x30]  }
0x87: {  	v44 =	vld [tilespmem:s21+$0x1F0];
	[tilespmem:s23+$0xFFFFFE40] =	vst v1  }
0x88: {  	v52 =	vld [tilespmem:s17+$0xFFFFFE50]  }
0x89: {  	[tilespmem:s23+$0xFFFFFF30] =	vst v0;
	v0 =	vmul.f32 v3, v8;
	v3 =	vld [tilespmem:s21+$0xFFFFFEC0]  }
0x8a: {  	v8 =	vld [tilespmem:s17+$0xFFFFFF40]  }
0x8b: {  	[tilespmem:s23+$0xFFFFFFB0] =	vst v0;
	v0 =	vmul.f32 v6, v45;
	v6 =	vld [tilespmem:s21+$0xFFFFFF40]  }
0x8c: {  	v49 =	vld [tilespmem:s17+$0xFFFFFFC0]  }
0x8d: {  	[tilespmem:s23+$0x30] =	vst v0;
	v0 =	vmul.f32 v2, v46;
	v2 =	vld [tilespmem:s21+$0xFFFFFFC0]  }
0x8e: {  	v50 =	vld [tilespmem:s17+$0x40]  }
0x8f: {  	v1 =	vmul.f32 v3, v48;
	[tilespmem:s23+$0xB0] =	vst v0;
	v0 =	vmul.f32 v5, v4;
	v4 =	vld [tilespmem:s21+$0x40]  }
0x90: {  	v5 =	vld [tilespmem:s17+$0xC0]  }
0x91: {  	[tilespmem:s23+$0xFFFFFEC0] =	vst v1;
	v1 =	vmul.f32 v6, v8;
	v6 =	vld [tilespmem:s21+$0xFFFFFE50]  }
0x92: {  	[tilespmem:s23+$0x130] =	vst v0;
	v0 =	vld [tilespmem:s21+$0xC0]  }
0x93: {  	v8 =	vld [tilespmem:s17+$0xFFFFFED0]  }
0x94: {  	v51 =	vld [tilespmem:s17+$0x140]  }
0x95: {  	v3 =	vld [tilespmem:s21+$0x140]  }
0x96: {  	[tilespmem:s23+$0xFFFFFF40] =	vst v1;
	v1 =	vmul.f32 v2, v49;
	v2 =	vld [tilespmem:s21+$0xFFFFFED0]  }
0x97: {  	v53 =	vld [tilespmem:s17+$0xFFFFFF50]  }
0x98: {  	[tilespmem:s23+$0xFFFFFFC0] =	vst v1;
	v1 =	vmul.f32 v4, v50;
	v4 =	vld [tilespmem:s21+$0xFFFFFF50]  }
0x99: {  	v54 =	vld [tilespmem:s17+$0xFFFFFFD0];
	v6 =	vmul.f32 v6, v52  }
0x9a: {  	[tilespmem:s23+$0x40] =	vst v1;
	v0 =	vmul.f32 v0, v5;
	v1 =	vld [tilespmem:s21+$0xFFFFFFD0]  }
0x9b: {  	v5 =	vld [tilespmem:s17+$0x50];
	[tilespmem:s23+$0xFFFFFE50] =	vst v6  }
0x9c: {  	[tilespmem:s23+$0xC0] =	vst v0;
	v0 =	vmul.f32 v3, v51;
	v3 =	vld [tilespmem:s21+$0x50]  }
0x9d: {  	v2 =	vmul.f32 v2, v8;
	v8 =	vld [tilespmem:s17+$0xFFFFFE60]  }
0x9e: {  	v55 =	vld [tilespmem:s17+$0xD0]  }
0x9f: {  	[tilespmem:s23+$0xFFFFFED0] =	vst v2;
	v2 =	vmul.f32 v4, v53;
	v4 =	vld [tilespmem:s21+$0xFFFFFE60]  }
0xa0: {  	[tilespmem:s23+$0x140] =	vst v0;
	v0 =	vld [tilespmem:s21+$0xD0]  }
0xa1: {  	v57 =	vld [tilespmem:s17+$0xFFFFFEE0]  }
0xa2: {  	v56 =	vld [tilespmem:s17+$0x150]  }
0xa3: {  	v6 =	vld [tilespmem:s21+$0x150]  }
0xa4: {  	[tilespmem:s23+$0xFFFFFF50] =	vst v2;
	v1 =	vmul.f32 v1, v54;
	v2 =	vld [tilespmem:s21+$0xFFFFFEE0]  }
0xa5: {  	v58 =	vld [tilespmem:s17+$0xFFFFFF60]  }
0xa6: {  	[tilespmem:s23+$0xFFFFFFD0] =	vst v1;
	v1 =	vmul.f32 v3, v5;
	v3 =	vld [tilespmem:s21+$0xFFFFFF60]  }
0xa7: {  	v5 =	vld [tilespmem:s17+$0xFFFFFFE0];
	v4 =	vmul.f32 v4, v8  }
0xa8: {  	[tilespmem:s23+$0x50] =	vst v1;
	v0 =	vmul.f32 v0, v55;
	v1 =	vld [tilespmem:s21+$0xFFFFFFE0]  }
0xa9: {  	v59 =	vld [tilespmem:s17+$0x60];
	[tilespmem:s23+$0xFFFFFE60] =	vst v4  }
0xaa: {  	[tilespmem:s23+$0xD0] =	vst v0;
	v0 =	vmul.f32 v6, v56;
	v6 =	vld [tilespmem:s21+$0x60]  }
0xab: {  	v2 =	vmul.f32 v2, v57;
	v61 =	vld [tilespmem:s17+$0xFFFFFE70]  }
0xac: {  	v60 =	vld [tilespmem:s17+$0xE0]  }
0xad: {  	[tilespmem:s23+$0xFFFFFEE0] =	vst v2;
	v2 =	vmul.f32 v3, v58;
	v3 =	vld [tilespmem:s21+$0xFFFFFE70]  }
0xae: {  	[tilespmem:s23+$0x150] =	vst v0;
	v0 =	vld [tilespmem:s21+$0xE0]  }
0xaf: {  	v62 =	vld [tilespmem:s17+$0xFFFFFEF0]  }
0xb0: {  	v8 =	vld [tilespmem:s17+$0x160]  }
0xb1: {  	v4 =	vld [tilespmem:s21+$0x160]  }
0xb2: {  	[tilespmem:s23+$0xFFFFFF60] =	vst v2;
	v1 =	vmul.f32 v1, v5;
	v5 =	vld [tilespmem:s21+$0xFFFFFEF0]  }
0xb3: {  	v14 =	vld [tilespmem:s17+$0xFFFFFF70]  }
0xb4: {  	[tilespmem:s23+$0xFFFFFFE0] =	vst v1;
	v1 =	vmul.f32 v6, v59;
	v6 =	vld [tilespmem:s21+$0xFFFFFF70]  }
0xb5: {  	v2 =	vmul.f32 v44, v7;
	v7 =	vld [tilespmem:s17+$0xFFFFFFF0]  }
0xb6: {  	v63 =	vld [tilespmem:s21+$0xFFFFFFF0];
	[tilespmem:s23+$0x60] =	vst v1;
	v1 =	vmul.f32 v0, v60  }
0xb7: {  	[tilespmem:s23+$0x1F0] =	vst v2;
	v3 =	vmul.f32 v3, v61;
	v0 =	vld [tilespmem:s17+$0x70]  }
0xb8: {  	v4 =	vmul.f32 v4, v8;
	v2 =	vld [tilespmem:s21+$0x70];
	[tilespmem:s23+$0xE0] =	vst v1  }
0xb9: {  	[tilespmem:s23+$0xFFFFFE70] =	vst v3;
	v1 =	vld [tilespmem:s17+$0xF0];
	v6 =	vmul.f32 v6, v14  }
0xba: {  	v5 =	vmul.f32 v5, v62;
	[tilespmem:s23+$0x160] =	vst v4;
	v4 =	vld [tilespmem:s21+$0xF0]  }
0xbb: {  	v3 =	vld [tilespmem:s17+$0x170];
	[tilespmem:s23+$0xFFFFFF70] =	vst v6;
	v6 =	vmul.f32 v63, v7  }
0xbc: {  	s15 =	simm.s32 $0x0;
	[tilespmem:s23+$0xFFFFFEF0] =	vst v5;
	v5 =	vld [tilespmem:s21+$0x170];
	s17 =	simm.s32 $0x18D80  }
.LBB2_3:
0xbd: {  	v7 =	vld [tilespmem:s17+$0x180];
	[tilespmem:s23+$0xFFFFFFF0] =	vst v6;
	v0 =	vmul.f32 v2, v0;
	s21 =	sadd.s32 $0x400, s21  }
0xbe: {  	v2 =	vld [tilespmem:s21+$0x180]  }
0xbf: {  	v6 =	vld [tilespmem:s21+$0xFFFFFE00];
	[tilespmem:s23+$0x70] =	vst v0;
	v0 =	vmul.f32 v4, v1  }
0xc0: {  	v1 =	vld [tilespmem:s17+$0xFFFFFE80]  }
0xc1: {  	v4 =	vld [tilespmem:s21+$0xFFFFFE80];
	[tilespmem:s23+$0xF0] =	vst v0;
	v0 =	vmul.f32 v5, v3  }
0xc2: {  	v3 =	vld [tilespmem:s17+$0xFFFFFF00]  }
0xc3: {  	v5 =	vld [tilespmem:s21+$0xFFFFFF00];
	v2 =	vmul.f32 v2, v7;
	[tilespmem:s23+$0x170] =	vst v0  }
0xc4: {  	s23 =	sadd.s32 $0x400, s23;
	v0 =	vld [tilespmem:s17+$0xFFFFFF80]  }
0xc5: {  	s15 =	sadd.s32 $0x8, s15;
	v7 =	vld [tilespmem:s21+$0xFFFFFF80];
	[tilespmem:s23+$0x180] =	vst v2  }
0xc6: {  	p2 =	slt.u32 s15, $0x20;
	v1 =	vmul.f32 v4, v1;
	v2 =	vld [tilespmem:s17+$0x190]  }
0xc7: {  	v4 =	vld [tilespmem:s21+$0x190]  }
0xc8: {  	[tilespmem:s23+$0xFFFFFE80] =	vst v1;
	v1 =	vmul.f32 v5, v3;
	v3 =	vld [tilespmem:s17+$0x0]  }
0xc9: {  	v5 =	vld [tilespmem:s21+$0x0]  }
0xca: {  	[tilespmem:s23+$0xFFFFFF00] =	vst v1;
	v0 =	vmul.f32 v7, v0;
	v1 =	vld [tilespmem:s17+$0x80]  }
0xcb: {  	v7 =	vld [tilespmem:s21+$0x80]  }
0xcc: {  	[tilespmem:s23+$0xFFFFFF80] =	vst v0;
	v0 =	vld [tilespmem:s17+$0x100];
	v2 =	vmul.f32 v4, v2  }
0xcd: {  	v4 =	vld [tilespmem:s21+$0x100]  }
0xce: {  	v8 =	vld [tilespmem:s17+$0xFFFFFE00];
	v3 =	vmul.f32 v5, v3;
	[tilespmem:s23+$0x190] =	vst v2  }
0xcf: {  	v2 =	vld [tilespmem:s17+$0x1A0]  }
0xd0: {  	[tilespmem:s23+$0x0] =	vst v3;
	v1 =	vmul.f32 v7, v1;
	v3 =	vld [tilespmem:s21+$0x1A0]  }
0xd1: {  	v5 =	vld [tilespmem:s17+$0xFFFFFE90]  }
0xd2: {  	v7 =	vld [tilespmem:s21+$0xFFFFFE90];
	[tilespmem:s23+$0x80] =	vst v1;
	v0 =	vmul.f32 v4, v0  }
0xd3: {  	v1 =	vmul.f32 v6, v8;
	v4 =	vld [tilespmem:s17+$0xFFFFFF10]  }
0xd4: {  	v6 =	vld [tilespmem:s21+$0xFFFFFF10];
	[tilespmem:s23+$0x100] =	vst v0  }
0xd5: {  	[tilespmem:s23+$0xFFFFFE00] =	vst v1;
	v0 =	vld [tilespmem:s17+$0xFFFFFF90];
	v1 =	vmul.f32 v3, v2  }
0xd6: {  	v2 =	vld [tilespmem:s17+$0xFFFFFE10]  }
0xd7: {  	v3 =	vld [tilespmem:s21+$0xFFFFFE10];
	v5 =	vmul.f32 v7, v5;
	[tilespmem:s23+$0x1A0] =	vst v1  }
0xd8: {  	v1 =	vld [tilespmem:s17+$0x1B0]  }
0xd9: {  	[tilespmem:s23+$0xFFFFFE90] =	vst v5;
	v4 =	vmul.f32 v6, v4;
	v5 =	vld [tilespmem:s21+$0x1B0]  }
0xda: {  	v6 =	vld [tilespmem:s21+$0xFFFFFF90]  }
0xdb: {  	[tilespmem:s23+$0xFFFFFF10] =	vst v4;
	v4 =	vld [tilespmem:s17+$0x10]  }
0xdc: {  	v2 =	vmul.f32 v3, v2;
	v3 =	vld [tilespmem:s21+$0x10]  }
0xdd: {  	v7 =	vld [tilespmem:s17+$0x90]  }
0xde: {  	[tilespmem:s23+$0xFFFFFE10] =	vst v2;
	v2 =	vld [tilespmem:s21+$0x90];
	v1 =	vmul.f32 v5, v1  }
0xdf: {  	v0 =	vmul.f32 v6, v0;
	v5 =	vld [tilespmem:s17+$0x110]  }
0xe0: {  	v6 =	vld [tilespmem:s21+$0x110];
	[tilespmem:s23+$0x1B0] =	vst v1  }
0xe1: {  	[tilespmem:s23+$0xFFFFFF90] =	vst v0;
	v0 =	vmul.f32 v3, v4;
	v1 =	vld [tilespmem:s17+$0x1C0]  }
0xe2: {  	v3 =	vld [tilespmem:s21+$0x1C0]  }
0xe3: {  	v4 =	vld [tilespmem:s17+$0xFFFFFE20];
	[tilespmem:s23+$0x10] =	vst v0;
	v0 =	vmul.f32 v2, v7  }
0xe4: {  	v2 =	vld [tilespmem:s21+$0xFFFFFE20]  }
0xe5: {  	v7 =	vld [tilespmem:s17+$0xFFFFFEA0];
	[tilespmem:s23+$0x90] =	vst v0;
	v0 =	vmul.f32 v6, v5  }
0xe6: {  	v5 =	vld [tilespmem:s21+$0xFFFFFEA0]  }
0xe7: {  	v6 =	vld [tilespmem:s17+$0xFFFFFF20];
	[tilespmem:s23+$0x110] =	vst v0;
	v0 =	vmul.f32 v3, v1  }
0xe8: {  	v1 =	vld [tilespmem:s21+$0xFFFFFF20]  }
0xe9: {  	v2 =	vmul.f32 v2, v4;
	v3 =	vld [tilespmem:s17+$0xFFFFFFA0];
	[tilespmem:s23+$0x1C0] =	vst v0  }
0xea: {  	v0 =	vld [tilespmem:s17+$0x1D0]  }
0xeb: {  	[tilespmem:s23+$0xFFFFFE20] =	vst v2;
	v2 =	vmul.f32 v5, v7;
	v4 =	vld [tilespmem:s21+$0x1D0]  }
0xec: {  	v5 =	vld [tilespmem:s21+$0xFFFFFFA0]  }
0xed: {  	[tilespmem:s23+$0xFFFFFEA0] =	vst v2;
	v1 =	vmul.f32 v1, v6;
	v2 =	vld [tilespmem:s17+$0x20]  }
0xee: {  	v6 =	vld [tilespmem:s21+$0x20]  }
0xef: {  	[tilespmem:s23+$0xFFFFFF20] =	vst v1;
	v1 =	vld [tilespmem:s17+$0xA0]  }
0xf0: {  	v7 =	vld [tilespmem:s21+$0xA0];
	v0 =	vmul.f32 v4, v0  }
0xf1: {  	v3 =	vmul.f32 v5, v3;
	v4 =	vld [tilespmem:s17+$0x120]  }
0xf2: {  	v5 =	vld [tilespmem:s21+$0x120];
	[tilespmem:s23+$0x1D0] =	vst v0  }
0xf3: {  	[tilespmem:s23+$0xFFFFFFA0] =	vst v3;
	v0 =	vmul.f32 v6, v2;
	v2 =	vld [tilespmem:s17+$0x1E0]  }
0xf4: {  	v3 =	vld [tilespmem:s21+$0x1E0]  }
0xf5: {  	v6 =	vld [tilespmem:s17+$0xFFFFFE30];
	[tilespmem:s23+$0x20] =	vst v0;
	v0 =	vmul.f32 v7, v1  }
0xf6: {  	v1 =	vld [tilespmem:s21+$0xFFFFFE30]  }
0xf7: {  	v7 =	vld [tilespmem:s17+$0xFFFFFEB0];
	[tilespmem:s23+$0xA0] =	vst v0;
	v0 =	vmul.f32 v5, v4  }
0xf8: {  	v4 =	vld [tilespmem:s21+$0xFFFFFEB0]  }
0xf9: {  	v5 =	vld [tilespmem:s17+$0xFFFFFF30];
	[tilespmem:s23+$0x120] =	vst v0;
	v0 =	vmul.f32 v3, v2  }
0xfa: {  	v2 =	vld [tilespmem:s21+$0xFFFFFF30]  }
0xfb: {  	v1 =	vmul.f32 v1, v6;
	v3 =	vld [tilespmem:s17+$0xFFFFFFB0];
	[tilespmem:s23+$0x1E0] =	vst v0  }
0xfc: {  	v0 =	vld [tilespmem:s17+$0x1F0]  }
0xfd: {  	[tilespmem:s23+$0xFFFFFE30] =	vst v1;
	v1 =	vmul.f32 v4, v7;
	v4 =	vld [tilespmem:s21+$0x1F0]  }
0xfe: {  	v6 =	vld [tilespmem:s21+$0xFFFFFFB0]  }
0xff: {  	[tilespmem:s23+$0xFFFFFEB0] =	vst v1;
	v1 =	vmul.f32 v2, v5;
	v2 =	vld [tilespmem:s17+$0x30]  }
0x100: {  	v5 =	vld [tilespmem:s21+$0x30]  }
0x101: {  	[tilespmem:s23+$0xFFFFFF30] =	vst v1;
	v1 =	vld [tilespmem:s17+$0xB0]  }
0x102: {  	v7 =	vld [tilespmem:s21+$0xB0];
	v0 =	vmul.f32 v4, v0  }
0x103: {  	v3 =	vmul.f32 v6, v3;
	v4 =	vld [tilespmem:s17+$0x130]  }
0x104: {  	v6 =	vld [tilespmem:s21+$0x130];
	[tilespmem:s23+$0x1F0] =	vst v0  }
0x105: {  	v0 =	vld [tilespmem:s17+$0xFFFFFE40];
	[tilespmem:s23+$0xFFFFFFB0] =	vst v3;
	v2 =	vmul.f32 v5, v2  }
0x106: {  	v3 =	vld [tilespmem:s21+$0xFFFFFE40]  }
0x107: {  	v5 =	vld [tilespmem:s17+$0xFFFFFEC0];
	[tilespmem:s23+$0x30] =	vst v2;
	v1 =	vmul.f32 v7, v1  }
0x108: {  	v2 =	vld [tilespmem:s21+$0xFFFFFEC0]  }
0x109: {  	v7 =	vld [tilespmem:s17+$0xFFFFFF40];
	[tilespmem:s23+$0xB0] =	vst v1;
	v1 =	vmul.f32 v6, v4  }
0x10a: {  	v4 =	vld [tilespmem:s21+$0xFFFFFF40]  }
0x10b: {  	v0 =	vmul.f32 v3, v0;
	v3 =	vld [tilespmem:s17+$0xFFFFFFC0];
	[tilespmem:s23+$0x130] =	vst v1  }
0x10c: {  	v1 =	vld [tilespmem:s21+$0xFFFFFFC0]  }
0x10d: {  	[tilespmem:s23+$0xFFFFFE40] =	vst v0;
	v0 =	vmul.f32 v2, v5;
	v2 =	vld [tilespmem:s17+$0x40]  }
0x10e: {  	v5 =	vld [tilespmem:s21+$0x40]  }
0x10f: {  	[tilespmem:s23+$0xFFFFFEC0] =	vst v0;
	v0 =	vmul.f32 v4, v7;
	v4 =	vld [tilespmem:s17+$0xC0]  }
0x110: {  	v6 =	vld [tilespmem:s21+$0xC0]  }
0x111: {  	[tilespmem:s23+$0xFFFFFF40] =	vst v0;
	v0 =	vmul.f32 v1, v3;
	v1 =	vld [tilespmem:s17+$0x140]  }
0x112: {  	v3 =	vld [tilespmem:s21+$0x140]  }
0x113: {  	v7 =	vld [tilespmem:s17+$0xFFFFFE50];
	[tilespmem:s23+$0xFFFFFFC0] =	vst v0;
	v0 =	vmul.f32 v5, v2  }
0x114: {  	v2 =	vld [tilespmem:s21+$0xFFFFFE50]  }
0x115: {  	v5 =	vld [tilespmem:s17+$0xFFFFFED0];
	[tilespmem:s23+$0x40] =	vst v0;
	v0 =	vmul.f32 v6, v4  }
0x116: {  	v4 =	vld [tilespmem:s21+$0xFFFFFED0]  }
0x117: {  	v6 =	vld [tilespmem:s17+$0xFFFFFF50];
	[tilespmem:s23+$0xC0] =	vst v0;
	v0 =	vmul.f32 v3, v1  }
0x118: {  	v1 =	vld [tilespmem:s21+$0xFFFFFF50]  }
0x119: {  	v2 =	vmul.f32 v2, v7;
	v3 =	vld [tilespmem:s17+$0xFFFFFFD0];
	[tilespmem:s23+$0x140] =	vst v0  }
0x11a: {  	v0 =	vld [tilespmem:s21+$0xFFFFFFD0]  }
0x11b: {  	[tilespmem:s23+$0xFFFFFE50] =	vst v2;
	v2 =	vmul.f32 v4, v5;
	v4 =	vld [tilespmem:s17+$0x50]  }
0x11c: {  	v5 =	vld [tilespmem:s21+$0x50]  }
0x11d: {  	[tilespmem:s23+$0xFFFFFED0] =	vst v2;
	v1 =	vmul.f32 v1, v6;
	v2 =	vld [tilespmem:s17+$0xD0]  }
0x11e: {  	v6 =	vld [tilespmem:s21+$0xD0]  }
0x11f: {  	[tilespmem:s23+$0xFFFFFF50] =	vst v1;
	v0 =	vmul.f32 v0, v3;
	v1 =	vld [tilespmem:s17+$0x150]  }
0x120: {  	v3 =	vld [tilespmem:s21+$0x150]  }
0x121: {  	v7 =	vld [tilespmem:s17+$0xFFFFFE60];
	[tilespmem:s23+$0xFFFFFFD0] =	vst v0;
	v0 =	vmul.f32 v5, v4  }
0x122: {  	v4 =	vld [tilespmem:s21+$0xFFFFFE60]  }
0x123: {  	v5 =	vld [tilespmem:s17+$0xFFFFFEE0];
	[tilespmem:s23+$0x50] =	vst v0;
	v0 =	vmul.f32 v6, v2  }
0x124: {  	v2 =	vld [tilespmem:s21+$0xFFFFFEE0]  }
0x125: {  	v6 =	vld [tilespmem:s17+$0xFFFFFF60];
	[tilespmem:s23+$0xD0] =	vst v0;
	v0 =	vmul.f32 v3, v1  }
0x126: {  	v1 =	vld [tilespmem:s21+$0xFFFFFF60]  }
0x127: {  	v3 =	vmul.f32 v4, v7;
	v4 =	vld [tilespmem:s17+$0xFFFFFFE0];
	[tilespmem:s23+$0x150] =	vst v0  }
0x128: {  	v0 =	vld [tilespmem:s21+$0xFFFFFFE0]  }
0x129: {  	[tilespmem:s23+$0xFFFFFE60] =	vst v3;
	v2 =	vmul.f32 v2, v5;
	v3 =	vld [tilespmem:s17+$0x60]  }
0x12a: {  	v5 =	vld [tilespmem:s21+$0x60]  }
0x12b: {  	[tilespmem:s23+$0xFFFFFEE0] =	vst v2;
	v1 =	vmul.f32 v1, v6;
	v2 =	vld [tilespmem:s17+$0xE0]  }
0x12c: {  	v6 =	vld [tilespmem:s21+$0xE0]  }
0x12d: {  	[tilespmem:s23+$0xFFFFFF60] =	vst v1;
	v0 =	vmul.f32 v0, v4;
	v1 =	vld [tilespmem:s17+$0x160]  }
0x12e: {  	v4 =	vld [tilespmem:s21+$0x160]  }
0x12f: {  	v7 =	vld [tilespmem:s17+$0xFFFFFE70];
	[tilespmem:s23+$0xFFFFFFE0] =	vst v0;
	v0 =	vmul.f32 v5, v3  }
0x130: {  	v3 =	vld [tilespmem:s21+$0xFFFFFE70]  }
0x131: {  	v5 =	vld [tilespmem:s17+$0xFFFFFEF0];
	[tilespmem:s23+$0x60] =	vst v0;
	v0 =	vmul.f32 v6, v2  }
0x132: {  	v2 =	vld [tilespmem:s21+$0xFFFFFEF0]  }
0x133: {  	v6 =	vld [tilespmem:s17+$0xFFFFFF70];
	[tilespmem:s23+$0xE0] =	vst v0;
	v0 =	vmul.f32 v4, v1  }
0x134: {  	v1 =	vld [tilespmem:s21+$0xFFFFFF70]  }
0x135: {  	v3 =	vmul.f32 v3, v7;
	v7 =	vld [tilespmem:s17+$0xFFFFFFF0];
	[tilespmem:s23+$0x160] =	vst v0  }
0x136: {  	v8 =	vld [tilespmem:s21+$0xFFFFFFF0]  }
0x137: {  	[tilespmem:s23+$0xFFFFFE70] =	vst v3;
	v3 =	vmul.f32 v2, v5;
	v0 =	vld [tilespmem:s17+$0x70]  }
.Ltmp2:
0x138: {  	v2 =	vld [tilespmem:s21+$0x70];
	(pc) =	sbr.rel @p2 .LBB2_3-.Ltmp2, $4  }
0x139: {  	[tilespmem:s23+$0xFFFFFEF0] =	vst v3;
	v3 =	vmul.f32 v1, v6;
	v1 =	vld [tilespmem:s17+$0xF0]  }
0x13a: {  	v4 =	vld [tilespmem:s21+$0xF0]  }
0x13b: {  	[tilespmem:s23+$0xFFFFFF70] =	vst v3;
	v6 =	vmul.f32 v8, v7;
	v3 =	vld [tilespmem:s17+$0x170]  }
0x13c: {  	s17 =	sadd.s32 $0x400, s17;
	v5 =	vld [tilespmem:s21+$0x170]  }
0x13d: {  	_ =	sdelay $0x1  }
0x13e: {  	v0 =	vmul.f32 v2, v0;
	s21 =	smul.u32 $0x50, s20  }
0x13f: {  	[tilespmem:s23+$0xFFFFFFF0] =	vst v6;
	v1 =	vmul.f32 v4, v1  }
0x140: {  	[tilespmem:s23+$0x70] =	vst v0;
	s5 =	sadd.s32 s4, s21;
	v0 =	vmul.f32 v5, v3  }
0x141: {  	s5 =	sshll.u32 s5, $0x4;
	[tilespmem:s23+$0xF0] =	vst v1  }
0x142: {  	p2 =	seq.s32 s20, $0x7C;
	s5 =	sadd.s32 s1, s5;
	[tilespmem:s23+$0x170] =	vst v0  }
0x143: {  	[hbm4b:s5+s3] =	stream.linear.scatter [tilespmem:s26], [sflag:$0x5], $0x1400, $0x38;
	[tilespmem:$0x1FF80] =	vst v63  }
0x144: {  	s15 =	simm.s32 @!p2 $0x28;
	s17 =	simm.s32 @!p2 $0x18780;
	s5 =	sadd.s32 @!p2 $0x138D0, s21  }
0x145: {  	[tilespmem:s17], [sflag:$0x1] =	stream.indirect.gather @!p2 [spmem:s2], $0x80, s5, s15, $0xb8;
	[tilespmem:$0x1FF80] =	vst v63  }
0x146: {  	s5 =	sadd.s32 @!p2 $0x16050, s21;
	s17 =	simm.s32 @!p2 $0x1AF80  }
0x147: {  	[tilespmem:s17], [sflag:$0x3] =	stream.indirect.gather @!p2 [spmem:s2], $0x80, s5, s15, $0xb8;
	[tilespmem:$0x1FF80] =	vst v63  }
0x148: {  	_ =	swait.ge [sflag:s28], $0x1400  }
0x149: {  	[sflag:s28] =	ssyncset.done $0x0  }
0x14a: {  	[sflag:s28] =	ssyncadd.s32 $0xFFFFEC00  }
0x14b: {  	_ =	swait.ge [sflag:s29], $0x1400  }
0x14c: {  	[sflag:s29] =	ssyncset.done $0x0  }
0x14d: {  	s5 =	simm.s32 @!p1 $0x6;
	[sflag:s29] =	ssyncadd.s32 $0xFFFFEC00  }
0x14e: {  	_ =	swait.ge @!p1 [sflag:s5], $0x1400  }
0x14f: {  	[sflag:s5] =	ssyncset.done @!p1 $0x0  }
0x150: {  	s17 =	simm.s32 $0x19D80;
	[sflag:s5] =	ssyncadd.s32 @!p1 $0xFFFFEC00  }
0x151: {  	s15 =	simm.s32 $0x1C580;
	v0 =	vld [tilespmem:s17+$0x180]  }
0x152: {  	v1 =	vld [tilespmem:s15+$0x180]  }
0x153: {  	v2 =	vld [tilespmem:s15+$0xFFFFFE00]  }
0x154: {  	v3 =	vld [tilespmem:s17+$0xFFFFFE80]  }
0x155: {  	v4 =	vld [tilespmem:s15+$0xFFFFFE80]  }
0x156: {  	v5 =	vld [tilespmem:s17+$0xFFFFFF00]  }
0x157: {  	v6 =	vld [tilespmem:s15+$0xFFFFFF00]  }
0x158: {  	v7 =	vld [tilespmem:s15+$0xFFFFFF80]  }
0x159: {  	v9 =	vld [tilespmem:s17+$0x0]  }
0x15a: {  	v10 =	vld [tilespmem:s15+$0x0]  }
0x15b: {  	v11 =	vld [tilespmem:s17+$0x80]  }
0x15c: {  	v12 =	vld [tilespmem:s15+$0x80];
	v0 =	vmul.f32 v1, v0  }
0x15d: {  	s23 =	simm.s32 $0x1ED80;
	v1 =	vld [tilespmem:s17+$0xFFFFFF80]  }
0x15e: {  	v3 =	vmul.f32 v4, v3;
	v4 =	vld [tilespmem:s17+$0xFFFFFE00];
	[tilespmem:s23+$0x180] =	vst v0  }
0x15f: {  	v0 =	vld [tilespmem:s17+$0x190]  }
0x160: {  	v8 =	vld [tilespmem:s15+$0x190]  }
0x161: {  	v13 =	vld [tilespmem:s17+$0x100];
	[tilespmem:s23+$0xFFFFFE80] =	vst v3;
	v3 =	vmul.f32 v6, v5  }
0x162: {  	v6 =	vld [tilespmem:s17+$0xFFFFFE90]  }
0x163: {  	[tilespmem:s23+$0xFFFFFF00] =	vst v3;
	v3 =	vld [tilespmem:s15+$0xFFFFFE90];
	v1 =	vmul.f32 v7, v1  }
0x164: {  	v2 =	vmul.f32 v2, v4;
	v4 =	vld [tilespmem:s17+$0xFFFFFF10]  }
0x165: {  	[tilespmem:s23+$0xFFFFFF80] =	vst v1;
	v1 =	vld [tilespmem:s15+$0xFFFFFF10];
	v0 =	vmul.f32 v8, v0  }
0x166: {  	[tilespmem:s23+$0xFFFFFE00] =	vst v2;
	v2 =	vld [tilespmem:s17+$0xFFFFFF90]  }
0x167: {  	v32 =	vld [tilespmem:s15+$0xFFFFFF90];
	[tilespmem:s23+$0x190] =	vst v0  }
0x168: {  	v0 =	vld [tilespmem:s17+$0x1A0]  }
0x169: {  	v3 =	vmul.f32 v3, v6;
	v5 =	vld [tilespmem:s15+$0x1A0]  }
0x16a: {  	v8 =	vld [tilespmem:s15+$0x100]  }
0x16b: {  	v7 =	vld [tilespmem:s15+$0xFFFFFE10];
	[tilespmem:s23+$0xFFFFFE90] =	vst v3;
	v1 =	vmul.f32 v1, v4  }
0x16c: {  	v4 =	vld [tilespmem:s17+$0xFFFFFEA0]  }
0x16d: {  	[tilespmem:s23+$0xFFFFFF10] =	vst v1;
	v1 =	vmul.f32 v32, v2;
	v2 =	vld [tilespmem:s15+$0xFFFFFEA0]  }
0x16e: {  	v0 =	vmul.f32 v5, v0;
	v5 =	vld [tilespmem:s17+$0xFFFFFE10]  }
0x16f: {  	v36 =	vld [tilespmem:s17+$0xFFFFFF20];
	[tilespmem:s23+$0xFFFFFF90] =	vst v1  }
0x170: {  	v1 =	vld [tilespmem:s15+$0xFFFFFF20];
	[tilespmem:s23+$0x1A0] =	vst v0;
	v0 =	vmul.f32 v10, v9  }
0x171: {  	v37 =	vld [tilespmem:s17+$0xFFFFFFA0]  }
0x172: {  	v30 =	vld [tilespmem:s17+$0x1B0];
	[tilespmem:s23+$0x0] =	vst v0;
	v0 =	vmul.f32 v12, v11  }
0x173: {  	v31 =	vld [tilespmem:s15+$0x1B0];
	v5 =	vmul.f32 v7, v5  }
0x174: {  	v33 =	vld [tilespmem:s17+$0x10];
	[tilespmem:s23+$0x80] =	vst v0;
	v0 =	vmul.f32 v8, v13  }
0x175: {  	v34 =	vld [tilespmem:s17+$0x90];
	[tilespmem:s23+$0xFFFFFE10] =	vst v5  }
0x176: {  	[tilespmem:s23+$0x100] =	vst v0;
	v0 =	vld [tilespmem:s15+$0x90]  }
0x177: {  	v6 =	vld [tilespmem:s17+$0xFFFFFE20]  }
0x178: {  	v9 =	vmul.f32 v31, v30;
	v3 =	vld [tilespmem:s15+$0xFFFFFE20]  }
0x179: {  	v35 =	vld [tilespmem:s17+$0x110]  }
0x17a: {  	v7 =	vld [tilespmem:s15+$0x110];
	[tilespmem:s23+$0x1B0] =	vst v9  }
0x17b: {  	v2 =	vmul.f32 v2, v4;
	v9 =	vld [tilespmem:s17+$0x1C0]  }
0x17c: {  	v1 =	vmul.f32 v1, v36;
	v5 =	vld [tilespmem:s15+$0x1C0]  }
0x17d: {  	[tilespmem:s23+$0xFFFFFEA0] =	vst v2;
	v8 =	vld [tilespmem:s15+$0x10];
	v0 =	vmul.f32 v0, v34  }
0x17e: {  	v42 =	vld [tilespmem:s17+$0xFFFFFEB0];
	[tilespmem:s23+$0xFFFFFF20] =	vst v1;
	v3 =	vmul.f32 v3, v6  }
0x17f: {  	v43 =	vld [tilespmem:s17+$0xFFFFFF30];
	[tilespmem:s23+$0x90] =	vst v0  }
0x180: {  	v0 =	vmul.f32 v7, v35;
	[tilespmem:s23+$0xFFFFFE20] =	vst v3;
	v40 =	vld [tilespmem:s17+$0xA0]  }
0x181: {  	v5 =	vmul.f32 v5, v9;
	v4 =	vld [tilespmem:s17+$0xFFFFFE30]  }
0x182: {  	[tilespmem:s23+$0x110] =	vst v0;
	v0 =	vld [tilespmem:s15+$0xA0]  }
0x183: {  	[tilespmem:s23+$0x1C0] =	vst v5;
	v41 =	vld [tilespmem:s17+$0x120]  }
0x184: {  	v5 =	vmul.f32 v8, v33;
	v8 =	vld [tilespmem:s17+$0x1D0]  }
0x185: {  	v38 =	vld [tilespmem:s15+$0x1D0]  }
0x186: {  	[tilespmem:s23+$0x10] =	vst v5;
	v5 =	vld [tilespmem:s15+$0xFFFFFFA0]  }
0x187: {  	v6 =	vld [tilespmem:s15+$0x120]  }
0x188: {  	v2 =	vld [tilespmem:s15+$0xFFFFFE30]  }
0x189: {  	v39 =	vld [tilespmem:s17+$0x20];
	v0 =	vmul.f32 v0, v40  }
0x18a: {  	v7 =	vld [tilespmem:s15+$0x20];
	v8 =	vmul.f32 v38, v8  }
0x18b: {  	[tilespmem:s23+$0xA0] =	vst v0;
	v1 =	vmul.f32 v5, v37;
	v5 =	vld [tilespmem:s15+$0xFFFFFEB0]  }
0x18c: {  	v0 =	vmul.f32 v6, v41;
	v46 =	vld [tilespmem:s17+$0xB0];
	[tilespmem:s23+$0x1D0] =	vst v8  }
0x18d: {  	v8 =	vld [tilespmem:s17+$0x1E0]  }
0x18e: {  	[tilespmem:s23+$0x120] =	vst v0;
	v3 =	vld [tilespmem:s15+$0x1E0]  }
0x18f: {  	v0 =	vmul.f32 v2, v4;
	[tilespmem:s23+$0xFFFFFFA0] =	vst v1;
	v1 =	vld [tilespmem:s15+$0xFFFFFF30]  }
0x190: {  	v2 =	vld [tilespmem:s15+$0xB0]  }
0x191: {  	v4 =	vld [tilespmem:s17+$0x130];
	[tilespmem:s23+$0xFFFFFE30] =	vst v0  }
0x192: {  	v47 =	vld [tilespmem:s17+$0xFFFFFE40];
	v0 =	vmul.f32 v5, v42  }
0x193: {  	v5 =	vld [tilespmem:s15+$0x130]  }
0x194: {  	v3 =	vmul.f32 v3, v8;
	[tilespmem:s23+$0xFFFFFEB0] =	vst v0;
	v0 =	vmul.f32 v1, v43;
	v1 =	vld [tilespmem:s15+$0xFFFFFE40]  }
0x195: {  	v8 =	vld [tilespmem:s17+$0xFFFFFFB0]  }
0x196: {  	v48 =	vld [tilespmem:s17+$0xFFFFFEC0];
	[tilespmem:s23+$0x1E0] =	vst v3;
	v3 =	vmul.f32 v7, v39  }
0x197: {  	v7 =	vld [tilespmem:s17+$0x1F0]  }
0x198: {  	[tilespmem:s23+$0x20] =	vst v3;
	v3 =	vld [tilespmem:s15+$0xFFFFFFB0]  }
0x199: {  	v45 =	vld [tilespmem:s17+$0x30];
	v1 =	vmul.f32 v1, v47  }
0x19a: {  	v6 =	vld [tilespmem:s15+$0x30]  }
0x19b: {  	v44 =	vld [tilespmem:s15+$0x1F0];
	[tilespmem:s23+$0xFFFFFE40] =	vst v1  }
0x19c: {  	v52 =	vld [tilespmem:s17+$0xFFFFFE50]  }
0x19d: {  	[tilespmem:s23+$0xFFFFFF30] =	vst v0;
	v0 =	vmul.f32 v3, v8;
	v3 =	vld [tilespmem:s15+$0xFFFFFEC0]  }
0x19e: {  	v8 =	vld [tilespmem:s17+$0xFFFFFF40]  }
0x19f: {  	[tilespmem:s23+$0xFFFFFFB0] =	vst v0;
	v0 =	vmul.f32 v6, v45;
	v6 =	vld [tilespmem:s15+$0xFFFFFF40]  }
0x1a0: {  	v49 =	vld [tilespmem:s17+$0xFFFFFFC0]  }
0x1a1: {  	[tilespmem:s23+$0x30] =	vst v0;
	v0 =	vmul.f32 v2, v46;
	v2 =	vld [tilespmem:s15+$0xFFFFFFC0]  }
0x1a2: {  	v50 =	vld [tilespmem:s17+$0x40]  }
0x1a3: {  	v1 =	vmul.f32 v3, v48;
	[tilespmem:s23+$0xB0] =	vst v0;
	v0 =	vmul.f32 v5, v4;
	v4 =	vld [tilespmem:s15+$0x40]  }
0x1a4: {  	v5 =	vld [tilespmem:s17+$0xC0]  }
0x1a5: {  	[tilespmem:s23+$0xFFFFFEC0] =	vst v1;
	v1 =	vmul.f32 v6, v8;
	v6 =	vld [tilespmem:s15+$0xFFFFFE50]  }
0x1a6: {  	[tilespmem:s23+$0x130] =	vst v0;
	v0 =	vld [tilespmem:s15+$0xC0]  }
0x1a7: {  	v8 =	vld [tilespmem:s17+$0xFFFFFED0]  }
0x1a8: {  	v51 =	vld [tilespmem:s17+$0x140]  }
0x1a9: {  	v3 =	vld [tilespmem:s15+$0x140]  }
0x1aa: {  	[tilespmem:s23+$0xFFFFFF40] =	vst v1;
	v1 =	vmul.f32 v2, v49;
	v2 =	vld [tilespmem:s15+$0xFFFFFED0]  }
0x1ab: {  	v53 =	vld [tilespmem:s17+$0xFFFFFF50]  }
0x1ac: {  	[tilespmem:s23+$0xFFFFFFC0] =	vst v1;
	v1 =	vmul.f32 v4, v50;
	v4 =	vld [tilespmem:s15+$0xFFFFFF50]  }
0x1ad: {  	v54 =	vld [tilespmem:s17+$0xFFFFFFD0];
	v6 =	vmul.f32 v6, v52  }
0x1ae: {  	[tilespmem:s23+$0x40] =	vst v1;
	v0 =	vmul.f32 v0, v5;
	v1 =	vld [tilespmem:s15+$0xFFFFFFD0]  }
0x1af: {  	v5 =	vld [tilespmem:s17+$0x50];
	[tilespmem:s23+$0xFFFFFE50] =	vst v6  }
0x1b0: {  	[tilespmem:s23+$0xC0] =	vst v0;
	v0 =	vmul.f32 v3, v51;
	v3 =	vld [tilespmem:s15+$0x50]  }
0x1b1: {  	v2 =	vmul.f32 v2, v8;
	v8 =	vld [tilespmem:s17+$0xFFFFFE60]  }
0x1b2: {  	v55 =	vld [tilespmem:s17+$0xD0]  }
0x1b3: {  	[tilespmem:s23+$0xFFFFFED0] =	vst v2;
	v2 =	vmul.f32 v4, v53;
	v4 =	vld [tilespmem:s15+$0xFFFFFE60]  }
0x1b4: {  	[tilespmem:s23+$0x140] =	vst v0;
	v0 =	vld [tilespmem:s15+$0xD0]  }
0x1b5: {  	v57 =	vld [tilespmem:s17+$0xFFFFFEE0]  }
0x1b6: {  	v56 =	vld [tilespmem:s17+$0x150]  }
0x1b7: {  	v6 =	vld [tilespmem:s15+$0x150]  }
0x1b8: {  	[tilespmem:s23+$0xFFFFFF50] =	vst v2;
	v1 =	vmul.f32 v1, v54;
	v2 =	vld [tilespmem:s15+$0xFFFFFEE0]  }
0x1b9: {  	v58 =	vld [tilespmem:s17+$0xFFFFFF60]  }
0x1ba: {  	[tilespmem:s23+$0xFFFFFFD0] =	vst v1;
	v1 =	vmul.f32 v3, v5;
	v3 =	vld [tilespmem:s15+$0xFFFFFF60]  }
0x1bb: {  	v5 =	vld [tilespmem:s17+$0xFFFFFFE0];
	v4 =	vmul.f32 v4, v8  }
0x1bc: {  	[tilespmem:s23+$0x50] =	vst v1;
	v0 =	vmul.f32 v0, v55;
	v1 =	vld [tilespmem:s15+$0xFFFFFFE0]  }
0x1bd: {  	v59 =	vld [tilespmem:s17+$0x60];
	[tilespmem:s23+$0xFFFFFE60] =	vst v4  }
0x1be: {  	[tilespmem:s23+$0xD0] =	vst v0;
	v0 =	vmul.f32 v6, v56;
	v6 =	vld [tilespmem:s15+$0x60]  }
0x1bf: {  	v2 =	vmul.f32 v2, v57;
	v61 =	vld [tilespmem:s17+$0xFFFFFE70]  }
0x1c0: {  	v60 =	vld [tilespmem:s17+$0xE0]  }
0x1c1: {  	[tilespmem:s23+$0xFFFFFEE0] =	vst v2;
	v2 =	vmul.f32 v3, v58;
	v3 =	vld [tilespmem:s15+$0xFFFFFE70]  }
0x1c2: {  	[tilespmem:s23+$0x150] =	vst v0;
	v0 =	vld [tilespmem:s15+$0xE0]  }
0x1c3: {  	v62 =	vld [tilespmem:s17+$0xFFFFFEF0]  }
0x1c4: {  	v8 =	vld [tilespmem:s17+$0x160]  }
0x1c5: {  	v4 =	vld [tilespmem:s15+$0x160]  }
0x1c6: {  	[tilespmem:s23+$0xFFFFFF60] =	vst v2;
	v1 =	vmul.f32 v1, v5;
	v5 =	vld [tilespmem:s15+$0xFFFFFEF0]  }
0x1c7: {  	v14 =	vld [tilespmem:s17+$0xFFFFFF70]  }
0x1c8: {  	[tilespmem:s23+$0xFFFFFFE0] =	vst v1;
	v1 =	vmul.f32 v6, v59;
	v6 =	vld [tilespmem:s15+$0xFFFFFF70]  }
0x1c9: {  	v2 =	vmul.f32 v44, v7;
	v7 =	vld [tilespmem:s17+$0xFFFFFFF0]  }
0x1ca: {  	v63 =	vld [tilespmem:s15+$0xFFFFFFF0];
	[tilespmem:s23+$0x60] =	vst v1;
	v1 =	vmul.f32 v0, v60  }
0x1cb: {  	[tilespmem:s23+$0x1F0] =	vst v2;
	v3 =	vmul.f32 v3, v61;
	v0 =	vld [tilespmem:s17+$0x70]  }
0x1cc: {  	v4 =	vmul.f32 v4, v8;
	v2 =	vld [tilespmem:s15+$0x70];
	[tilespmem:s23+$0xE0] =	vst v1  }
0x1cd: {  	[tilespmem:s23+$0xFFFFFE70] =	vst v3;
	v1 =	vld [tilespmem:s17+$0xF0];
	v6 =	vmul.f32 v6, v14  }
0x1ce: {  	v5 =	vmul.f32 v5, v62;
	[tilespmem:s23+$0x160] =	vst v4;
	v4 =	vld [tilespmem:s15+$0xF0]  }
0x1cf: {  	v3 =	vld [tilespmem:s17+$0x170];
	[tilespmem:s23+$0xFFFFFF70] =	vst v6;
	v6 =	vmul.f32 v63, v7  }
0x1d0: {  	s5 =	simm.s32 $0x1A180;
	[tilespmem:s23+$0xFFFFFEF0] =	vst v5;
	s17 =	simm.s32 $0x0;
	v5 =	vld [tilespmem:s15+$0x170]  }
.LBB2_5:
0x1d1: {  	v7 =	vld [tilespmem:s5+$0x180];
	[tilespmem:s23+$0xFFFFFFF0] =	vst v6;
	v0 =	vmul.f32 v2, v0;
	s15 =	sadd.s32 $0x400, s15  }
0x1d2: {  	v2 =	vld [tilespmem:s15+$0x180]  }
0x1d3: {  	v6 =	vld [tilespmem:s15+$0xFFFFFE00];
	[tilespmem:s23+$0x70] =	vst v0;
	v0 =	vmul.f32 v4, v1  }
0x1d4: {  	v1 =	vld [tilespmem:s5+$0xFFFFFE80]  }
0x1d5: {  	v4 =	vld [tilespmem:s15+$0xFFFFFE80];
	[tilespmem:s23+$0xF0] =	vst v0;
	v0 =	vmul.f32 v5, v3  }
0x1d6: {  	v3 =	vld [tilespmem:s5+$0xFFFFFF00]  }
0x1d7: {  	v5 =	vld [tilespmem:s15+$0xFFFFFF00];
	v2 =	vmul.f32 v2, v7;
	[tilespmem:s23+$0x170] =	vst v0  }
0x1d8: {  	s23 =	sadd.s32 $0x400, s23;
	v0 =	vld [tilespmem:s5+$0xFFFFFF80]  }
0x1d9: {  	s17 =	sadd.s32 $0x8, s17;
	v7 =	vld [tilespmem:s15+$0xFFFFFF80];
	[tilespmem:s23+$0x180] =	vst v2  }
0x1da: {  	p1 =	slt.u32 s17, $0x20;
	v1 =	vmul.f32 v4, v1;
	v2 =	vld [tilespmem:s5+$0x190]  }
0x1db: {  	v4 =	vld [tilespmem:s15+$0x190]  }
0x1dc: {  	[tilespmem:s23+$0xFFFFFE80] =	vst v1;
	v1 =	vmul.f32 v5, v3;
	v3 =	vld [tilespmem:s5+$0x0]  }
0x1dd: {  	v5 =	vld [tilespmem:s15+$0x0]  }
0x1de: {  	[tilespmem:s23+$0xFFFFFF00] =	vst v1;
	v0 =	vmul.f32 v7, v0;
	v1 =	vld [tilespmem:s5+$0x80]  }
0x1df: {  	v7 =	vld [tilespmem:s15+$0x80]  }
0x1e0: {  	[tilespmem:s23+$0xFFFFFF80] =	vst v0;
	v0 =	vld [tilespmem:s5+$0x100];
	v2 =	vmul.f32 v4, v2  }
0x1e1: {  	v4 =	vld [tilespmem:s15+$0x100]  }
0x1e2: {  	v8 =	vld [tilespmem:s5+$0xFFFFFE00];
	v3 =	vmul.f32 v5, v3;
	[tilespmem:s23+$0x190] =	vst v2  }
0x1e3: {  	v2 =	vld [tilespmem:s5+$0x1A0]  }
0x1e4: {  	[tilespmem:s23+$0x0] =	vst v3;
	v1 =	vmul.f32 v7, v1;
	v3 =	vld [tilespmem:s15+$0x1A0]  }
0x1e5: {  	v5 =	vld [tilespmem:s5+$0xFFFFFE90]  }
0x1e6: {  	v7 =	vld [tilespmem:s15+$0xFFFFFE90];
	[tilespmem:s23+$0x80] =	vst v1;
	v0 =	vmul.f32 v4, v0  }
0x1e7: {  	v1 =	vmul.f32 v6, v8;
	v4 =	vld [tilespmem:s5+$0xFFFFFF10]  }
0x1e8: {  	v6 =	vld [tilespmem:s15+$0xFFFFFF10];
	[tilespmem:s23+$0x100] =	vst v0  }
0x1e9: {  	[tilespmem:s23+$0xFFFFFE00] =	vst v1;
	v0 =	vld [tilespmem:s5+$0xFFFFFF90];
	v1 =	vmul.f32 v3, v2  }
0x1ea: {  	v2 =	vld [tilespmem:s5+$0xFFFFFE10]  }
0x1eb: {  	v3 =	vld [tilespmem:s15+$0xFFFFFE10];
	v5 =	vmul.f32 v7, v5;
	[tilespmem:s23+$0x1A0] =	vst v1  }
0x1ec: {  	v1 =	vld [tilespmem:s5+$0x1B0]  }
0x1ed: {  	[tilespmem:s23+$0xFFFFFE90] =	vst v5;
	v4 =	vmul.f32 v6, v4;
	v5 =	vld [tilespmem:s15+$0x1B0]  }
0x1ee: {  	v6 =	vld [tilespmem:s15+$0xFFFFFF90]  }
0x1ef: {  	[tilespmem:s23+$0xFFFFFF10] =	vst v4;
	v4 =	vld [tilespmem:s5+$0x10]  }
0x1f0: {  	v2 =	vmul.f32 v3, v2;
	v3 =	vld [tilespmem:s15+$0x10]  }
0x1f1: {  	v7 =	vld [tilespmem:s5+$0x90]  }
0x1f2: {  	[tilespmem:s23+$0xFFFFFE10] =	vst v2;
	v2 =	vld [tilespmem:s15+$0x90];
	v1 =	vmul.f32 v5, v1  }
0x1f3: {  	v0 =	vmul.f32 v6, v0;
	v5 =	vld [tilespmem:s5+$0x110]  }
0x1f4: {  	v6 =	vld [tilespmem:s15+$0x110];
	[tilespmem:s23+$0x1B0] =	vst v1  }
0x1f5: {  	[tilespmem:s23+$0xFFFFFF90] =	vst v0;
	v0 =	vmul.f32 v3, v4;
	v1 =	vld [tilespmem:s5+$0x1C0]  }
0x1f6: {  	v3 =	vld [tilespmem:s15+$0x1C0]  }
0x1f7: {  	v4 =	vld [tilespmem:s5+$0xFFFFFE20];
	[tilespmem:s23+$0x10] =	vst v0;
	v0 =	vmul.f32 v2, v7  }
0x1f8: {  	v2 =	vld [tilespmem:s15+$0xFFFFFE20]  }
0x1f9: {  	v7 =	vld [tilespmem:s5+$0xFFFFFEA0];
	[tilespmem:s23+$0x90] =	vst v0;
	v0 =	vmul.f32 v6, v5  }
0x1fa: {  	v5 =	vld [tilespmem:s15+$0xFFFFFEA0]  }
0x1fb: {  	v6 =	vld [tilespmem:s5+$0xFFFFFF20];
	[tilespmem:s23+$0x110] =	vst v0;
	v0 =	vmul.f32 v3, v1  }
0x1fc: {  	v1 =	vld [tilespmem:s15+$0xFFFFFF20]  }
0x1fd: {  	v2 =	vmul.f32 v2, v4;
	v3 =	vld [tilespmem:s5+$0xFFFFFFA0];
	[tilespmem:s23+$0x1C0] =	vst v0  }
0x1fe: {  	v0 =	vld [tilespmem:s5+$0x1D0]  }
0x1ff: {  	[tilespmem:s23+$0xFFFFFE20] =	vst v2;
	v2 =	vmul.f32 v5, v7;
	v4 =	vld [tilespmem:s15+$0x1D0]  }
0x200: {  	v5 =	vld [tilespmem:s15+$0xFFFFFFA0]  }
0x201: {  	[tilespmem:s23+$0xFFFFFEA0] =	vst v2;
	v1 =	vmul.f32 v1, v6;
	v2 =	vld [tilespmem:s5+$0x20]  }
0x202: {  	v6 =	vld [tilespmem:s15+$0x20]  }
0x203: {  	[tilespmem:s23+$0xFFFFFF20] =	vst v1;
	v1 =	vld [tilespmem:s5+$0xA0]  }
0x204: {  	v7 =	vld [tilespmem:s15+$0xA0];
	v0 =	vmul.f32 v4, v0  }
0x205: {  	v3 =	vmul.f32 v5, v3;
	v4 =	vld [tilespmem:s5+$0x120]  }
0x206: {  	v5 =	vld [tilespmem:s15+$0x120];
	[tilespmem:s23+$0x1D0] =	vst v0  }
0x207: {  	[tilespmem:s23+$0xFFFFFFA0] =	vst v3;
	v0 =	vmul.f32 v6, v2;
	v2 =	vld [tilespmem:s5+$0x1E0]  }
0x208: {  	v3 =	vld [tilespmem:s15+$0x1E0]  }
0x209: {  	v6 =	vld [tilespmem:s5+$0xFFFFFE30];
	[tilespmem:s23+$0x20] =	vst v0;
	v0 =	vmul.f32 v7, v1  }
0x20a: {  	v1 =	vld [tilespmem:s15+$0xFFFFFE30]  }
0x20b: {  	v7 =	vld [tilespmem:s5+$0xFFFFFEB0];
	[tilespmem:s23+$0xA0] =	vst v0;
	v0 =	vmul.f32 v5, v4  }
0x20c: {  	v4 =	vld [tilespmem:s15+$0xFFFFFEB0]  }
0x20d: {  	v5 =	vld [tilespmem:s5+$0xFFFFFF30];
	[tilespmem:s23+$0x120] =	vst v0;
	v0 =	vmul.f32 v3, v2  }
0x20e: {  	v2 =	vld [tilespmem:s15+$0xFFFFFF30]  }
0x20f: {  	v1 =	vmul.f32 v1, v6;
	v3 =	vld [tilespmem:s5+$0xFFFFFFB0];
	[tilespmem:s23+$0x1E0] =	vst v0  }
0x210: {  	v0 =	vld [tilespmem:s5+$0x1F0]  }
0x211: {  	[tilespmem:s23+$0xFFFFFE30] =	vst v1;
	v1 =	vmul.f32 v4, v7;
	v4 =	vld [tilespmem:s15+$0x1F0]  }
0x212: {  	v6 =	vld [tilespmem:s15+$0xFFFFFFB0]  }
0x213: {  	[tilespmem:s23+$0xFFFFFEB0] =	vst v1;
	v1 =	vmul.f32 v2, v5;
	v2 =	vld [tilespmem:s5+$0x30]  }
0x214: {  	v5 =	vld [tilespmem:s15+$0x30]  }
0x215: {  	[tilespmem:s23+$0xFFFFFF30] =	vst v1;
	v1 =	vld [tilespmem:s5+$0xB0]  }
0x216: {  	v7 =	vld [tilespmem:s15+$0xB0];
	v0 =	vmul.f32 v4, v0  }
0x217: {  	v3 =	vmul.f32 v6, v3;
	v4 =	vld [tilespmem:s5+$0x130]  }
0x218: {  	v6 =	vld [tilespmem:s15+$0x130];
	[tilespmem:s23+$0x1F0] =	vst v0  }
0x219: {  	v0 =	vld [tilespmem:s5+$0xFFFFFE40];
	[tilespmem:s23+$0xFFFFFFB0] =	vst v3;
	v2 =	vmul.f32 v5, v2  }
0x21a: {  	v3 =	vld [tilespmem:s15+$0xFFFFFE40]  }
0x21b: {  	v5 =	vld [tilespmem:s5+$0xFFFFFEC0];
	[tilespmem:s23+$0x30] =	vst v2;
	v1 =	vmul.f32 v7, v1  }
0x21c: {  	v2 =	vld [tilespmem:s15+$0xFFFFFEC0]  }
0x21d: {  	v7 =	vld [tilespmem:s5+$0xFFFFFF40];
	[tilespmem:s23+$0xB0] =	vst v1;
	v1 =	vmul.f32 v6, v4  }
0x21e: {  	v4 =	vld [tilespmem:s15+$0xFFFFFF40]  }
0x21f: {  	v0 =	vmul.f32 v3, v0;
	v3 =	vld [tilespmem:s5+$0xFFFFFFC0];
	[tilespmem:s23+$0x130] =	vst v1  }
0x220: {  	v1 =	vld [tilespmem:s15+$0xFFFFFFC0]  }
0x221: {  	[tilespmem:s23+$0xFFFFFE40] =	vst v0;
	v0 =	vmul.f32 v2, v5;
	v2 =	vld [tilespmem:s5+$0x40]  }
0x222: {  	v5 =	vld [tilespmem:s15+$0x40]  }
0x223: {  	[tilespmem:s23+$0xFFFFFEC0] =	vst v0;
	v0 =	vmul.f32 v4, v7;
	v4 =	vld [tilespmem:s5+$0xC0]  }
0x224: {  	v6 =	vld [tilespmem:s15+$0xC0]  }
0x225: {  	[tilespmem:s23+$0xFFFFFF40] =	vst v0;
	v0 =	vmul.f32 v1, v3;
	v1 =	vld [tilespmem:s5+$0x140]  }
0x226: {  	v3 =	vld [tilespmem:s15+$0x140]  }
0x227: {  	v7 =	vld [tilespmem:s5+$0xFFFFFE50];
	[tilespmem:s23+$0xFFFFFFC0] =	vst v0;
	v0 =	vmul.f32 v5, v2  }
0x228: {  	v2 =	vld [tilespmem:s15+$0xFFFFFE50]  }
0x229: {  	v5 =	vld [tilespmem:s5+$0xFFFFFED0];
	[tilespmem:s23+$0x40] =	vst v0;
	v0 =	vmul.f32 v6, v4  }
0x22a: {  	v4 =	vld [tilespmem:s15+$0xFFFFFED0]  }
0x22b: {  	v6 =	vld [tilespmem:s5+$0xFFFFFF50];
	[tilespmem:s23+$0xC0] =	vst v0;
	v0 =	vmul.f32 v3, v1  }
0x22c: {  	v1 =	vld [tilespmem:s15+$0xFFFFFF50]  }
0x22d: {  	v2 =	vmul.f32 v2, v7;
	v3 =	vld [tilespmem:s5+$0xFFFFFFD0];
	[tilespmem:s23+$0x140] =	vst v0  }
0x22e: {  	v0 =	vld [tilespmem:s15+$0xFFFFFFD0]  }
0x22f: {  	[tilespmem:s23+$0xFFFFFE50] =	vst v2;
	v2 =	vmul.f32 v4, v5;
	v4 =	vld [tilespmem:s5+$0x50]  }
0x230: {  	v5 =	vld [tilespmem:s15+$0x50]  }
0x231: {  	[tilespmem:s23+$0xFFFFFED0] =	vst v2;
	v1 =	vmul.f32 v1, v6;
	v2 =	vld [tilespmem:s5+$0xD0]  }
0x232: {  	v6 =	vld [tilespmem:s15+$0xD0]  }
0x233: {  	[tilespmem:s23+$0xFFFFFF50] =	vst v1;
	v0 =	vmul.f32 v0, v3;
	v1 =	vld [tilespmem:s5+$0x150]  }
0x234: {  	v3 =	vld [tilespmem:s15+$0x150]  }
0x235: {  	v7 =	vld [tilespmem:s5+$0xFFFFFE60];
	[tilespmem:s23+$0xFFFFFFD0] =	vst v0;
	v0 =	vmul.f32 v5, v4  }
0x236: {  	v4 =	vld [tilespmem:s15+$0xFFFFFE60]  }
0x237: {  	v5 =	vld [tilespmem:s5+$0xFFFFFEE0];
	[tilespmem:s23+$0x50] =	vst v0;
	v0 =	vmul.f32 v6, v2  }
0x238: {  	v2 =	vld [tilespmem:s15+$0xFFFFFEE0]  }
0x239: {  	v6 =	vld [tilespmem:s5+$0xFFFFFF60];
	[tilespmem:s23+$0xD0] =	vst v0;
	v0 =	vmul.f32 v3, v1  }
0x23a: {  	v1 =	vld [tilespmem:s15+$0xFFFFFF60]  }
0x23b: {  	v3 =	vmul.f32 v4, v7;
	v4 =	vld [tilespmem:s5+$0xFFFFFFE0];
	[tilespmem:s23+$0x150] =	vst v0  }
0x23c: {  	v0 =	vld [tilespmem:s15+$0xFFFFFFE0]  }
0x23d: {  	[tilespmem:s23+$0xFFFFFE60] =	vst v3;
	v2 =	vmul.f32 v2, v5;
	v3 =	vld [tilespmem:s5+$0x60]  }
0x23e: {  	v5 =	vld [tilespmem:s15+$0x60]  }
0x23f: {  	[tilespmem:s23+$0xFFFFFEE0] =	vst v2;
	v1 =	vmul.f32 v1, v6;
	v2 =	vld [tilespmem:s5+$0xE0]  }
0x240: {  	v6 =	vld [tilespmem:s15+$0xE0]  }
0x241: {  	[tilespmem:s23+$0xFFFFFF60] =	vst v1;
	v0 =	vmul.f32 v0, v4;
	v1 =	vld [tilespmem:s5+$0x160]  }
0x242: {  	v4 =	vld [tilespmem:s15+$0x160]  }
0x243: {  	v7 =	vld [tilespmem:s5+$0xFFFFFE70];
	[tilespmem:s23+$0xFFFFFFE0] =	vst v0;
	v0 =	vmul.f32 v5, v3  }
0x244: {  	v3 =	vld [tilespmem:s15+$0xFFFFFE70]  }
0x245: {  	v5 =	vld [tilespmem:s5+$0xFFFFFEF0];
	[tilespmem:s23+$0x60] =	vst v0;
	v0 =	vmul.f32 v6, v2  }
0x246: {  	v2 =	vld [tilespmem:s15+$0xFFFFFEF0]  }
0x247: {  	v6 =	vld [tilespmem:s5+$0xFFFFFF70];
	[tilespmem:s23+$0xE0] =	vst v0;
	v0 =	vmul.f32 v4, v1  }
0x248: {  	v1 =	vld [tilespmem:s15+$0xFFFFFF70]  }
0x249: {  	v3 =	vmul.f32 v3, v7;
	v7 =	vld [tilespmem:s5+$0xFFFFFFF0];
	[tilespmem:s23+$0x160] =	vst v0  }
0x24a: {  	v8 =	vld [tilespmem:s15+$0xFFFFFFF0]  }
0x24b: {  	[tilespmem:s23+$0xFFFFFE70] =	vst v3;
	v3 =	vmul.f32 v2, v5;
	v0 =	vld [tilespmem:s5+$0x70]  }
.Ltmp3:
0x24c: {  	v2 =	vld [tilespmem:s15+$0x70];
	(pc) =	sbr.rel @p1 .LBB2_5-.Ltmp3, $4  }
0x24d: {  	[tilespmem:s23+$0xFFFFFEF0] =	vst v3;
	v3 =	vmul.f32 v1, v6;
	v1 =	vld [tilespmem:s5+$0xF0]  }
0x24e: {  	v4 =	vld [tilespmem:s15+$0xF0]  }
0x24f: {  	[tilespmem:s23+$0xFFFFFF70] =	vst v3;
	v6 =	vmul.f32 v8, v7;
	v3 =	vld [tilespmem:s5+$0x170]  }
0x250: {  	s5 =	sadd.s32 $0x400, s5;
	v5 =	vld [tilespmem:s15+$0x170]  }
0x251: {  	_ =	sdelay $0x1  }
0x252: {  	v0 =	vmul.f32 v2, v0  }
.Ltmp4:
0x253: {  	[tilespmem:s23+$0xFFFFFFF0] =	vst v6;
	v1 =	vmul.f32 v4, v1;
	(pc) =	sbr.rel @p2 .LBB2_8-.Ltmp4, $4  }
0x254: {  	s5 =	sadd.s32 s21, s10;
	[tilespmem:s23+$0x70] =	vst v0;
	v63 =	vmul.f32 v5, v3  }
0x255: {  	s5 =	sshll.u32 s5, $0x4;
	[tilespmem:s23+$0xF0] =	vst v1  }
0x256: {  	s5 =	sadd.s32 s1, s5;
	[tilespmem:s23+$0x170] =	vst v63  }
0x257: {  	[hbm4b:s5+s3] =	stream.linear.scatter [tilespmem:s30], [sflag:$0x6], $0x1400, $0x38;
	[tilespmem:$0x1FF80] =	vst v63  }
.Ltmp5:
0x258: {  	(pc) =	sbr.rel .LBB2_2-.Ltmp5, $4  }
0x259: {  	s5 =	sadd.s32 $0x138F8, s21  }
0x25a: {  	[tilespmem:s22], [sflag:$0x2] =	stream.indirect.gather [spmem:s2], $0x80, s5, s18, $0xb8;
	[tilespmem:$0x1FF80] =	vst v63  }
0x25b: {  	s23 =	sadd.s32 $0x16078, s21;
	s20 =	sadd.s32 $0x1, s20  }
0x25c: {  	[tilespmem:s24], [sflag:$0x4] =	stream.indirect.gather [spmem:s2], $0x80, s23, s18, $0xb8;
	[tilespmem:$0x1FF80] =	vst v63  }
.LBB2_9:
0x25d: {  	_ =	sfence.sel $0x180000  }
0x25e: {  	[bflag:$0x0] =	sbarrier.arrive $0xFFFF  }
0x25f: {  	_ =	strace $0x90000047  }
0x260: {  	[bflag:$0x2] =	sbarrier.arrive $0xFFFF  }
0x261: {  	s0 =	rddreg [dreg:$0x5]  }
0x262: {  	s0 =	sadd.s32 @!p0 $0x100000, s0  }
0x263: {  	[sflag:s0] =	ssyncadd.tile.s32 @!p0 $0x1;
	_ =	shalt  }
.Lfunc_end2:
_tile_overlayer_lowered:
.L_overlay_start_2:
0x264: {  	(tag) =	ssettag $0x2  }
0x265: {  	s0 =	rddreg [dreg:$0x0];
	s2 =	stileid.u32  }
0x266: {  	s1 =	rddreg [dreg:$0x1];
	p0 =	sne.s32 s2, $0x0  }
0x267: {  	s3 =	rddreg [dreg:$0x2];
	[bflag:$0x3] =	sbarrier.arrive $0xFFFF;
	s2 =	simm.s32 @!p0 $0x1C07  }
0x268: {  	[timem:s3], [sflag:s2] =	dma.local @!p0 [hbm:s0], s1  }
0x269: {  	s0 =	simm.s32 @!p0 $0x7  }
0x26a: {  	_ =	swait.ge @!p0 [sflag:s0], s1  }
0x26b: {  	s1 =	ssub.s32 @!p0 $0x0, s1;
	[sflag:s0] =	ssyncset.done @!p0 $0x0  }
0x26c: {  	[sflag:s0] =	ssyncadd.s32 @!p0 s1  }
0x26d: {  	[bflag:$0x3] =	sbarrier.arrive $0xFFFF  }
0x26e: {  	_ =	shalt  }

</sc_bundles>
